<compile_context>
chip_gen: v7x
topology: tpu7x:2x2x1
jax: 0.10.2.dev20260603
libtpu: 0.0.44.dev20260713+nightly
codegen_flags: <defaults>
</compile_context>

<pallas_src>
import functools

import jax
import jax.numpy as jnp
from jax import lax
from jax.experimental import pallas as pl
from jax.experimental.pallas import tpu as pltpu
from jax.experimental.pallas import tpu_sc as plsc

D_BIN = 32
D_ANA = 64
D_FRA = 32
D_OUT = D_BIN + D_ANA + D_FRA

_CHUNK = 64
_PACK_VT = 24576
_GPACK = 8


def _pack_body(bt_ref, at_ref, ft_ref, w8_ref, b8_ref, o_ref):
    c = _PACK_VT // _GPACK
    bt = bt_ref[...]
    rhs = jnp.concatenate(
        [bt[:, m * c:(m + 1) * c] for m in range(_GPACK)], axis=0)
    y8 = jnp.dot(w8_ref[...], rhs, preferred_element_type=jnp.float32)
    g8 = jnp.tanh((y8 + b8_ref[...]) * 2.0)
    gated = jnp.concatenate(
        [g8[m * D_BIN:(m + 1) * D_BIN, :] for m in range(_GPACK)], axis=1)
    blk = jnp.concatenate([gated, at_ref[...], ft_ref[...]], axis=0)
    o_ref[...] = lax.transpose(blk, (1, 0))


def _pack_tables(bt_t, at_t, ft_t, w8, b8):
    v = bt_t.shape[1]
    grid = (v + _PACK_VT - 1) // _PACK_VT
    return pl.pallas_call(
        _pack_body,
        grid=(grid,),
        in_specs=[
            pl.BlockSpec((D_BIN, _PACK_VT), lambda i: (0, i)),
            pl.BlockSpec((D_ANA, _PACK_VT), lambda i: (0, i)),
            pl.BlockSpec((D_FRA, _PACK_VT), lambda i: (0, i)),
            pl.BlockSpec((_GPACK * D_BIN, _GPACK * D_BIN), lambda i: (0, 0)),
            pl.BlockSpec((_GPACK * D_BIN, 1), lambda i: (0, 0)),
        ],
        out_specs=pl.BlockSpec((_PACK_VT, D_OUT), lambda i: (i, 0)),
        out_shape=jax.ShapeDtypeStruct((v, D_OUT), jnp.float32),
        compiler_params=pltpu.CompilerParams(
            vmem_limit_bytes=100 * 1024 * 1024),
    )(bt_t, at_t, ft_t, w8, b8)


_NBUF = 10


@functools.lru_cache(maxsize=None)
def _sc_gather_fn(n_tokens: int, v: int):
    info = plsc.get_sparse_core_info()
    nc, ns = info.num_cores, info.num_subcores
    nw = nc * ns
    assert n_tokens % (nw * _CHUNK * _NBUF) == 0
    per_w = n_tokens // nw
    n_groups = per_w // (_CHUNK * _NBUF)

    mesh = plsc.VectorSubcoreMesh(core_axis_name="c", subcore_axis_name="s")

    def body(tok_hbm, big_hbm, out_hbm, idx_v, *bufs_and_sems):
        rows = bufs_and_sems[:_NBUF]
        sem_g = bufs_and_sems[_NBUF:2 * _NBUF]
        sem_w = bufs_and_sems[2 * _NBUF:3 * _NBUF]
        wid = lax.axis_index("s") * nc + lax.axis_index("c")
        w_base = wid * per_w
        pltpu.sync_copy(tok_hbm.at[pl.ds(w_base, per_w)], idx_v)

        def out_slice(g, b):
            base = pl.multiple_of(
                w_base + (g * _NBUF + b) * _CHUNK, _CHUNK)
            return out_hbm.at[pl.ds(base, _CHUNK)]

        def idx_slice(g, b):
            off = pl.multiple_of((g * _NBUF + b) * _CHUNK, _CHUNK)
            return idx_v.at[pl.ds(off, _CHUNK)]

        def group(g, carry):
            gathers = []
            for b in range(_NBUF):
                @pl.when(g > 0)
                def _(b=b):
                    pltpu.make_async_copy(
                        rows[b], out_slice(g - 1, b), sem_w[b]).wait()
                gathers.append(pltpu.async_copy(
                    big_hbm.at[idx_slice(g, b)], rows[b], sem_g[b]))
            for b in range(_NBUF):
                gathers[b].wait()
                pltpu.async_copy(rows[b], out_slice(g, b), sem_w[b])
            return carry

        lax.fori_loop(0, n_groups, group, 0)
        for b in range(_NBUF):
            pltpu.make_async_copy(
                rows[b], out_slice(n_groups - 1, b), sem_w[b]).wait()

    return pl.kernel(
        body,
        out_type=jax.ShapeDtypeStruct((n_tokens, D_OUT), jnp.float32),
        mesh=mesh,
        scratch_types=(
            [pltpu.VMEM((n_tokens // nw,), jnp.int32)]
            + [pltpu.VMEM((_CHUNK, D_OUT), jnp.float32)] * _NBUF
            + [pltpu.SemaphoreType.DMA] * (2 * _NBUF)
        ),
    )


def _gate_mats(gate_w, gate_b):
    eye = jnp.eye(_GPACK, dtype=jnp.float32)
    w8 = jnp.einsum("ml,ji->mjli", eye, gate_w).reshape(
        _GPACK * D_BIN, _GPACK * D_BIN)
    b8 = jnp.tile(gate_b, _GPACK).reshape(_GPACK * D_BIN, 1)
    return w8, b8


def kernel(tokens, binary_table, analog_table, fractal_table, gate_w, gate_b):
    batch, hist = tokens.shape
    n = batch * hist
    v = binary_table.shape[0]
    tok = tokens.T.reshape(n).astype(jnp.int32)
    w8, b8 = _gate_mats(gate_w, gate_b)
    big = _pack_tables(binary_table.T, analog_table.T, fractal_table.T, w8, b8)
    out = _sc_gather_fn(n, v)(tok, big)
    return out.reshape(hist, batch, D_OUT).transpose(1, 0, 2)

# --- scband reference (transcript-rebuilt; emitter-appended) ---
"""Pipeline reference for scband-triadic-embedding-17136919511706 (READ-ONLY COPY).

The authoritative reference and input builder live on the scoring server;
editing this copy changes nothing except your own understanding.
"""

import jax, jax.numpy as jnp
import numpy as np

V = 1000000
D_MODEL = 128
D_BINARY = D_MODEL // 4
D_ANALOG = D_MODEL // 2
D_FRACTAL = D_MODEL - D_BINARY - D_ANALOG
BATCH = 4096
HIST = 50


def setup_inputs(seed: int = 0) -> dict:
    key = jax.random.key(seed)
    ks = jax.random.split(key, 6)
    tokens = jax.random.randint(ks[0], (BATCH, HIST), 0, V, dtype=jnp.int64 if jax.config.jax_enable_x64 else jnp.int32)
    binary_table = jax.random.normal(ks[1], (V, D_BINARY), dtype=jnp.float32)
    analog_table = jax.random.normal(ks[2], (V, D_ANALOG), dtype=jnp.float32)
    fractal_table = jax.random.normal(ks[3], (V, D_FRACTAL), dtype=jnp.float32)
    bound = 1.0 / np.sqrt(D_BINARY)
    gate_w = jax.random.uniform(ks[4], (D_BINARY, D_BINARY), minval=-bound, maxval=bound, dtype=jnp.float32)
    gate_b = jax.random.uniform(ks[5], (D_BINARY,), minval=-bound, maxval=bound, dtype=jnp.float32)
    return {
        "tokens": tokens,
        "binary_table": binary_table,
        "analog_table": analog_table,
        "fractal_table": fractal_table,
        "gate_w": gate_w,
        "gate_b": gate_b,
    }


def reference(tokens, binary_table, analog_table, fractal_table, gate_w, gate_b):
    # binary channel: embed -> linear gate -> tanh(x * 2)
    be = jnp.take(binary_table, tokens, axis=0)
    b = jnp.tanh((be @ gate_w.T + gate_b) * 2.0)
    # analog channel: plain embed
    a = jnp.take(analog_table, tokens, axis=0)
    # fractal channel: plain embed
    f = jnp.take(fractal_table, tokens, axis=0)
    return jnp.concatenate([b, a, f], axis=-1)

if __name__ == "__main__":
    import jax
    _d = setup_inputs()
    print(jax.jit(kernel)(*tuple(_d.values())))

</pallas_src>

<mosaic_0001>
#map = affine_map<(d0, d1) -> (0)>
#map1 = affine_map<(d0, d1) -> (0, 0)>
module attributes {stable_mosaic.version = 14 : i64} {
  func.func @body(%arg0: i32, %arg1: i32, %arg2: memref<204800xi32, #tpu.memory_space<hbm>>, %arg3: memref<1000000x128xf32, #tpu.memory_space<hbm>>, %arg4: memref<204800x128xf32, #tpu.memory_space<hbm>>, %arg5: memref<6400xi32, #tpu.memory_space<vmem>>, %arg6: memref<64x128xf32, #tpu.memory_space<vmem>>, %arg7: memref<64x128xf32, #tpu.memory_space<vmem>>, %arg8: memref<64x128xf32, #tpu.memory_space<vmem>>, %arg9: memref<64x128xf32, #tpu.memory_space<vmem>>, %arg10: memref<64x128xf32, #tpu.memory_space<vmem>>, %arg11: memref<64x128xf32, #tpu.memory_space<vmem>>, %arg12: memref<64x128xf32, #tpu.memory_space<vmem>>, %arg13: memref<64x128xf32, #tpu.memory_space<vmem>>, %arg14: memref<64x128xf32, #tpu.memory_space<vmem>>, %arg15: memref<64x128xf32, #tpu.memory_space<vmem>>, %arg16: memref<!tpu.dma_semaphore, #tpu.memory_space<semaphore_mem>>, %arg17: memref<!tpu.dma_semaphore, #tpu.memory_space<semaphore_mem>>, %arg18: memref<!tpu.dma_semaphore, #tpu.memory_space<semaphore_mem>>, %arg19: memref<!tpu.dma_semaphore, #tpu.memory_space<semaphore_mem>>, %arg20: memref<!tpu.dma_semaphore, #tpu.memory_space<semaphore_mem>>, %arg21: memref<!tpu.dma_semaphore, #tpu.memory_space<semaphore_mem>>, %arg22: memref<!tpu.dma_semaphore, #tpu.memory_space<semaphore_mem>>, %arg23: memref<!tpu.dma_semaphore, #tpu.memory_space<semaphore_mem>>, %arg24: memref<!tpu.dma_semaphore, #tpu.memory_space<semaphore_mem>>, %arg25: memref<!tpu.dma_semaphore, #tpu.memory_space<semaphore_mem>>, %arg26: memref<!tpu.dma_semaphore, #tpu.memory_space<semaphore_mem>>, %arg27: memref<!tpu.dma_semaphore, #tpu.memory_space<semaphore_mem>>, %arg28: memref<!tpu.dma_semaphore, #tpu.memory_space<semaphore_mem>>, %arg29: memref<!tpu.dma_semaphore, #tpu.memory_space<semaphore_mem>>, %arg30: memref<!tpu.dma_semaphore, #tpu.memory_space<semaphore_mem>>, %arg31: memref<!tpu.dma_semaphore, #tpu.memory_space<semaphore_mem>>, %arg32: memref<!tpu.dma_semaphore, #tpu.memory_space<semaphore_mem>>, %arg33: memref<!tpu.dma_semaphore, #tpu.memory_space<semaphore_mem>>, %arg34: memref<!tpu.dma_semaphore, #tpu.memory_space<semaphore_mem>>, %arg35: memref<!tpu.dma_semaphore, #tpu.memory_space<semaphore_mem>>) attributes {dimension_semantics = [#tpu.dimension_semantics<core_parallel>, #tpu.dimension_semantics<subcore_parallel>], iteration_bounds = array<i64: 2, 16>, scalar_prefetch = 0 : i64, scratch_operands = 31 : i64, tpu.core_type = #tpu.core_type<sc_vector_subcore>, window_params = [{transform_indices = #map}, {transform_indices = #map1}, {transform_indices = #map1}]} {
    %mul3A = arith.constant 2 : i32
    %mul3A_0 = arith.muli %arg1, %mul3A : i32
    %add3A = arith.addi %mul3A_0, %arg0 : i32
    %mul3A_1 = arith.constant 6400 : i32
    %mul3A_2 = arith.muli %add3A, %mul3A_1 : i32
    "tpu.region"() ({
      %run_scoped3A = tpu.sem_alloc : memref<!tpu.dma_semaphore, #tpu.memory_space<semaphore_mem>>
      %dma_start3A = tpu.memref_slice %arg2[%mul3A_2] : memref<204800xi32, #tpu.memory_space<hbm>> -> memref<6400xi32, #tpu.memory_space<hbm>>
      %dma_start3A_76 = tpu.memref_slice %arg2[%mul3A_2] : memref<204800xi32, #tpu.memory_space<hbm>> -> memref<6400xi32, #tpu.memory_space<hbm>>
      tpu.enqueue_dma source(%dma_start3A_76 : memref<6400xi32, #tpu.memory_space<hbm>>) target(%arg5 : memref<6400xi32, #tpu.memory_space<vmem>>) target_semaphore(%run_scoped3A : memref<!tpu.dma_semaphore, #tpu.memory_space<semaphore_mem>>)
      %dma_wait3A_77 = tpu.memref_slice %arg2[%mul3A_2] : memref<204800xi32, #tpu.memory_space<hbm>> -> memref<6400xi32, #tpu.memory_space<hbm>>
      %dma_wait3A_78 = tpu.memref_slice %arg2[%mul3A_2] : memref<204800xi32, #tpu.memory_space<hbm>> -> memref<6400xi32, #tpu.memory_space<hbm>>
      tpu.wait_dma2 semaphore(%run_scoped3A : memref<!tpu.dma_semaphore, #tpu.memory_space<semaphore_mem>>) src(%dma_wait3A_78 : memref<6400xi32, #tpu.memory_space<hbm>>) dst(%arg5 : memref<6400xi32, #tpu.memory_space<vmem>>)
      tpu.yield
    }) : () -> ()
    %scan3A = arith.constant 0 : i32
    %scan3A_3 = arith.constant 0 : i32
    %scan3A_4 = arith.constant 10 : i32
    %scan3A_5 = arith.addi %scan3A_3, %scan3A_4 : i32
    %scan3A_6 = arith.constant 1 : i32
    scf.for %scan3A_76 = %scan3A_3 to %scan3A_5 step %scan3A_6  : i32 {
      %gt3A = arith.constant 0 : i32
      %gt3A_77 = arith.cmpi sgt, %scan3A_76, %gt3A : i32
      %convert_element_type3A = arith.extui %gt3A_77 : i1 to i32
      %cond3A = arith.constant 0 : i32
      %cond3A_78 = arith.cmpi ne, %convert_element_type3A, %cond3A : i32
      scf.if %cond3A_78 {
        %sub3A = arith.constant 1 : i32
        %sub3A_393 = arith.subi %scan3A_76, %sub3A : i32
        %mul3A_394 = arith.constant 10 : i32
        %mul3A_395 = arith.muli %sub3A_393, %mul3A_394 : i32
        %add3A_396 = arith.constant 0 : i32
        %add3A_397 = arith.addi %mul3A_395, %add3A_396 : i32
        %mul3A_398 = arith.constant 64 : i32
        %mul3A_399 = arith.muli %add3A_397, %mul3A_398 : i32
        %add3A_400 = arith.addi %mul3A_2, %mul3A_399 : i32
        %multiple_of3A_401 = tpu.assume_multiple %add3A_400, 64 : i32
        %dma_wait3A_402 = arith.constant 0 : i32
        %dma_wait3A_403 = tpu.memref_slice %arg4[%multiple_of3A_401, %dma_wait3A_402] : memref<204800x128xf32, #tpu.memory_space<hbm>> -> memref<64x128xf32, #tpu.memory_space<hbm>>
        %dma_wait3A_404 = arith.constant 0 : i32
        %dma_wait3A_405 = tpu.memref_slice %arg4[%multiple_of3A_401, %dma_wait3A_404] : memref<204800x128xf32, #tpu.memory_space<hbm>> -> memref<64x128xf32, #tpu.memory_space<hbm>>
        tpu.wait_dma2 semaphore(%arg26 : memref<!tpu.dma_semaphore, #tpu.memory_space<semaphore_mem>>) src(%arg6 : memref<64x128xf32, #tpu.memory_space<vmem>>) dst(%dma_wait3A_405 : memref<64x128xf32, #tpu.memory_space<hbm>>)
      } else {
      }
      %mul3A_79 = arith.constant 10 : i32
      %mul3A_80 = arith.muli %scan3A_76, %mul3A_79 : i32
      %add3A_81 = arith.constant 0 : i32
      %add3A_82 = arith.addi %mul3A_80, %add3A_81 : i32
      %mul3A_83 = arith.constant 64 : i32
      %mul3A_84 = arith.muli %add3A_82, %mul3A_83 : i32
      %multiple_of3A_85 = tpu.assume_multiple %mul3A_84, 64 : i32
      %dma_start3A = tpu.memref_slice %arg5[%multiple_of3A_85] : memref<6400xi32, #tpu.memory_space<vmem>> -> memref<64xi32, #tpu.memory_space<vmem>>
      %dma_start3A_86 = arith.constant 0 : i32
      %dma_start3A_87 = arith.constant 0 : i32
      %dma_start3A_88 = tpu.memref_slice %arg3[%dma_start3A_86, %dma_start3A_87] : memref<1000000x128xf32, #tpu.memory_space<hbm>> -> memref<1000000x128xf32, #tpu.memory_space<hbm>>
      tpu.enqueue_indirect_dma source(%dma_start3A_88 : memref<1000000x128xf32, #tpu.memory_space<hbm>>) target(%arg6 : memref<64x128xf32, #tpu.memory_space<vmem>>) offsets(%dma_start3A : memref<64xi32, #tpu.memory_space<vmem>>) semaphore(%arg16 : memref<!tpu.dma_semaphore, #tpu.memory_space<semaphore_mem>>)
      %gt3A_89 = arith.constant 0 : i32
      %gt3A_90 = arith.cmpi sgt, %scan3A_76, %gt3A_89 : i32
      %convert_element_type3A_91 = arith.extui %gt3A_90 : i1 to i32
      %cond3A_92 = arith.constant 0 : i32
      %cond3A_93 = arith.cmpi ne, %convert_element_type3A_91, %cond3A_92 : i32
      scf.if %cond3A_93 {
        %sub3A = arith.constant 1 : i32
        %sub3A_393 = arith.subi %scan3A_76, %sub3A : i32
        %mul3A_394 = arith.constant 10 : i32
        %mul3A_395 = arith.muli %sub3A_393, %mul3A_394 : i32
        %add3A_396 = arith.constant 1 : i32
        %add3A_397 = arith.addi %mul3A_395, %add3A_396 : i32
        %mul3A_398 = arith.constant 64 : i32
        %mul3A_399 = arith.muli %add3A_397, %mul3A_398 : i32
        %add3A_400 = arith.addi %mul3A_2, %mul3A_399 : i32
        %multiple_of3A_401 = tpu.assume_multiple %add3A_400, 64 : i32
        %dma_wait3A_402 = arith.constant 0 : i32
        %dma_wait3A_403 = tpu.memref_slice %arg4[%multiple_of3A_401, %dma_wait3A_402] : memref<204800x128xf32, #tpu.memory_space<hbm>> -> memref<64x128xf32, #tpu.memory_space<hbm>>
        %dma_wait3A_404 = arith.constant 0 : i32
        %dma_wait3A_405 = tpu.memref_slice %arg4[%multiple_of3A_401, %dma_wait3A_404] : memref<204800x128xf32, #tpu.memory_space<hbm>> -> memref<64x128xf32, #tpu.memory_space<hbm>>
        tpu.wait_dma2 semaphore(%arg27 : memref<!tpu.dma_semaphore, #tpu.memory_space<semaphore_mem>>) src(%arg7 : memref<64x128xf32, #tpu.memory_space<vmem>>) dst(%dma_wait3A_405 : memref<64x128xf32, #tpu.memory_space<hbm>>)
      } else {
      }
      %mul3A_94 = arith.constant 10 : i32
      %mul3A_95 = arith.muli %scan3A_76, %mul3A_94 : i32
      %add3A_96 = arith.constant 1 : i32
      %add3A_97 = arith.addi %mul3A_95, %add3A_96 : i32
      %mul3A_98 = arith.constant 64 : i32
      %mul3A_99 = arith.muli %add3A_97, %mul3A_98 : i32
      %multiple_of3A_100 = tpu.assume_multiple %mul3A_99, 64 : i32
      %dma_start3A_101 = tpu.memref_slice %arg5[%multiple_of3A_100] : memref<6400xi32, #tpu.memory_space<vmem>> -> memref<64xi32, #tpu.memory_space<vmem>>
      %dma_start3A_102 = arith.constant 0 : i32
      %dma_start3A_103 = arith.constant 0 : i32
      %dma_start3A_104 = tpu.memref_slice %arg3[%dma_start3A_102, %dma_start3A_103] : memref<1000000x128xf32, #tpu.memory_space<hbm>> -> memref<1000000x128xf32, #tpu.memory_space<hbm>>
      tpu.enqueue_indirect_dma source(%dma_start3A_104 : memref<1000000x128xf32, #tpu.memory_space<hbm>>) target(%arg7 : memref<64x128xf32, #tpu.memory_space<vmem>>) offsets(%dma_start3A_101 : memref<64xi32, #tpu.memory_space<vmem>>) semaphore(%arg17 : memref<!tpu.dma_semaphore, #tpu.memory_space<semaphore_mem>>)
      %gt3A_105 = arith.constant 0 : i32
      %gt3A_106 = arith.cmpi sgt, %scan3A_76, %gt3A_105 : i32
      %convert_element_type3A_107 = arith.extui %gt3A_106 : i1 to i32
      %cond3A_108 = arith.constant 0 : i32
      %cond3A_109 = arith.cmpi ne, %convert_element_type3A_107, %cond3A_108 : i32
      scf.if %cond3A_109 {
        %sub3A = arith.constant 1 : i32
        %sub3A_393 = arith.subi %scan3A_76, %sub3A : i32
        %mul3A_394 = arith.constant 10 : i32
        %mul3A_395 = arith.muli %sub3A_393, %mul3A_394 : i32
        %add3A_396 = arith.constant 2 : i32
        %add3A_397 = arith.addi %mul3A_395, %add3A_396 : i32
        %mul3A_398 = arith.constant 64 : i32
        %mul3A_399 = arith.muli %add3A_397, %mul3A_398 : i32
        %add3A_400 = arith.addi %mul3A_2, %mul3A_399 : i32
        %multiple_of3A_401 = tpu.assume_multiple %add3A_400, 64 : i32
        %dma_wait3A_402 = arith.constant 0 : i32
        %dma_wait3A_403 = tpu.memref_slice %arg4[%multiple_of3A_401, %dma_wait3A_402] : memref<204800x128xf32, #tpu.memory_space<hbm>> -> memref<64x128xf32, #tpu.memory_space<hbm>>
        %dma_wait3A_404 = arith.constant 0 : i32
        %dma_wait3A_405 = tpu.memref_slice %arg4[%multiple_of3A_401, %dma_wait3A_404] : memref<204800x128xf32, #tpu.memory_space<hbm>> -> memref<64x128xf32, #tpu.memory_space<hbm>>
        tpu.wait_dma2 semaphore(%arg28 : memref<!tpu.dma_semaphore, #tpu.memory_space<semaphore_mem>>) src(%arg8 : memref<64x128xf32, #tpu.memory_space<vmem>>) dst(%dma_wait3A_405 : memref<64x128xf32, #tpu.memory_space<hbm>>)
      } else {
      }
      %mul3A_110 = arith.constant 10 : i32
      %mul3A_111 = arith.muli %scan3A_76, %mul3A_110 : i32
      %add3A_112 = arith.constant 2 : i32
      %add3A_113 = arith.addi %mul3A_111, %add3A_112 : i32
      %mul3A_114 = arith.constant 64 : i32
      %mul3A_115 = arith.muli %add3A_113, %mul3A_114 : i32
      %multiple_of3A_116 = tpu.assume_multiple %mul3A_115, 64 : i32
      %dma_start3A_117 = tpu.memref_slice %arg5[%multiple_of3A_116] : memref<6400xi32, #tpu.memory_space<vmem>> -> memref<64xi32, #tpu.memory_space<vmem>>
      %dma_start3A_118 = arith.constant 0 : i32
      %dma_start3A_119 = arith.constant 0 : i32
      %dma_start3A_120 = tpu.memref_slice %arg3[%dma_start3A_118, %dma_start3A_119] : memref<1000000x128xf32, #tpu.memory_space<hbm>> -> memref<1000000x128xf32, #tpu.memory_space<hbm>>
      tpu.enqueue_indirect_dma source(%dma_start3A_120 : memref<1000000x128xf32, #tpu.memory_space<hbm>>) target(%arg8 : memref<64x128xf32, #tpu.memory_space<vmem>>) offsets(%dma_start3A_117 : memref<64xi32, #tpu.memory_space<vmem>>) semaphore(%arg18 : memref<!tpu.dma_semaphore, #tpu.memory_space<semaphore_mem>>)
      %gt3A_121 = arith.constant 0 : i32
      %gt3A_122 = arith.cmpi sgt, %scan3A_76, %gt3A_121 : i32
      %convert_element_type3A_123 = arith.extui %gt3A_122 : i1 to i32
      %cond3A_124 = arith.constant 0 : i32
      %cond3A_125 = arith.cmpi ne, %convert_element_type3A_123, %cond3A_124 : i32
      scf.if %cond3A_125 {
        %sub3A = arith.constant 1 : i32
        %sub3A_393 = arith.subi %scan3A_76, %sub3A : i32
        %mul3A_394 = arith.constant 10 : i32
        %mul3A_395 = arith.muli %sub3A_393, %mul3A_394 : i32
        %add3A_396 = arith.constant 3 : i32
        %add3A_397 = arith.addi %mul3A_395, %add3A_396 : i32
        %mul3A_398 = arith.constant 64 : i32
        %mul3A_399 = arith.muli %add3A_397, %mul3A_398 : i32
        %add3A_400 = arith.addi %mul3A_2, %mul3A_399 : i32
        %multiple_of3A_401 = tpu.assume_multiple %add3A_400, 64 : i32
        %dma_wait3A_402 = arith.constant 0 : i32
        %dma_wait3A_403 = tpu.memref_slice %arg4[%multiple_of3A_401, %dma_wait3A_402] : memref<204800x128xf32, #tpu.memory_space<hbm>> -> memref<64x128xf32, #tpu.memory_space<hbm>>
        %dma_wait3A_404 = arith.constant 0 : i32
        %dma_wait3A_405 = tpu.memref_slice %arg4[%multiple_of3A_401, %dma_wait3A_404] : memref<204800x128xf32, #tpu.memory_space<hbm>> -> memref<64x128xf32, #tpu.memory_space<hbm>>
        tpu.wait_dma2 semaphore(%arg29 : memref<!tpu.dma_semaphore, #tpu.memory_space<semaphore_mem>>) src(%arg9 : memref<64x128xf32, #tpu.memory_space<vmem>>) dst(%dma_wait3A_405 : memref<64x128xf32, #tpu.memory_space<hbm>>)
      } else {
      }
      %mul3A_126 = arith.constant 10 : i32
      %mul3A_127 = arith.muli %scan3A_76, %mul3A_126 : i32
      %add3A_128 = arith.constant 3 : i32
      %add3A_129 = arith.addi %mul3A_127, %add3A_128 : i32
      %mul3A_130 = arith.constant 64 : i32
      %mul3A_131 = arith.muli %add3A_129, %mul3A_130 : i32
      %multiple_of3A_132 = tpu.assume_multiple %mul3A_131, 64 : i32
      %dma_start3A_133 = tpu.memref_slice %arg5[%multiple_of3A_132] : memref<6400xi32, #tpu.memory_space<vmem>> -> memref<64xi32, #tpu.memory_space<vmem>>
      %dma_start3A_134 = arith.constant 0 : i32
      %dma_start3A_135 = arith.constant 0 : i32
      %dma_start3A_136 = tpu.memref_slice %arg3[%dma_start3A_134, %dma_start3A_135] : memref<1000000x128xf32, #tpu.memory_space<hbm>> -> memref<1000000x128xf32, #tpu.memory_space<hbm>>
      tpu.enqueue_indirect_dma source(%dma_start3A_136 : memref<1000000x128xf32, #tpu.memory_space<hbm>>) target(%arg9 : memref<64x128xf32, #tpu.memory_space<vmem>>) offsets(%dma_start3A_133 : memref<64xi32, #tpu.memory_space<vmem>>) semaphore(%arg19 : memref<!tpu.dma_semaphore, #tpu.memory_space<semaphore_mem>>)
      %gt3A_137 = arith.constant 0 : i32
      %gt3A_138 = arith.cmpi sgt, %scan3A_76, %gt3A_137 : i32
      %convert_element_type3A_139 = arith.extui %gt3A_138 : i1 to i32
      %cond3A_140 = arith.constant 0 : i32
      %cond3A_141 = arith.cmpi ne, %convert_element_type3A_139, %cond3A_140 : i32
      scf.if %cond3A_141 {
        %sub3A = arith.constant 1 : i32
        %sub3A_393 = arith.subi %scan3A_76, %sub3A : i32
        %mul3A_394 = arith.constant 10 : i32
        %mul3A_395 = arith.muli %sub3A_393, %mul3A_394 : i32
        %add3A_396 = arith.constant 4 : i32
        %add3A_397 = arith.addi %mul3A_395, %add3A_396 : i32
        %mul3A_398 = arith.constant 64 : i32
        %mul3A_399 = arith.muli %add3A_397, %mul3A_398 : i32
        %add3A_400 = arith.addi %mul3A_2, %mul3A_399 : i32
        %multiple_of3A_401 = tpu.assume_multiple %add3A_400, 64 : i32
        %dma_wait3A_402 = arith.constant 0 : i32
        %dma_wait3A_403 = tpu.memref_slice %arg4[%multiple_of3A_401, %dma_wait3A_402] : memref<204800x128xf32, #tpu.memory_space<hbm>> -> memref<64x128xf32, #tpu.memory_space<hbm>>
        %dma_wait3A_404 = arith.constant 0 : i32
        %dma_wait3A_405 = tpu.memref_slice %arg4[%multiple_of3A_401, %dma_wait3A_404] : memref<204800x128xf32, #tpu.memory_space<hbm>> -> memref<64x128xf32, #tpu.memory_space<hbm>>
        tpu.wait_dma2 semaphore(%arg30 : memref<!tpu.dma_semaphore, #tpu.memory_space<semaphore_mem>>) src(%arg10 : memref<64x128xf32, #tpu.memory_space<vmem>>) dst(%dma_wait3A_405 : memref<64x128xf32, #tpu.memory_space<hbm>>)
      } else {
      }
      %mul3A_142 = arith.constant 10 : i32
      %mul3A_143 = arith.muli %scan3A_76, %mul3A_142 : i32
      %add3A_144 = arith.constant 4 : i32
      %add3A_145 = arith.addi %mul3A_143, %add3A_144 : i32
      %mul3A_146 = arith.constant 64 : i32
      %mul3A_147 = arith.muli %add3A_145, %mul3A_146 : i32
      %multiple_of3A_148 = tpu.assume_multiple %mul3A_147, 64 : i32
      %dma_start3A_149 = tpu.memref_slice %arg5[%multiple_of3A_148] : memref<6400xi32, #tpu.memory_space<vmem>> -> memref<64xi32, #tpu.memory_space<vmem>>
      %dma_start3A_150 = arith.constant 0 : i32
      %dma_start3A_151 = arith.constant 0 : i32
      %dma_start3A_152 = tpu.memref_slice %arg3[%dma_start3A_150, %dma_start3A_151] : memref<1000000x128xf32, #tpu.memory_space<hbm>> -> memref<1000000x128xf32, #tpu.memory_space<hbm>>
      tpu.enqueue_indirect_dma source(%dma_start3A_152 : memref<1000000x128xf32, #tpu.memory_space<hbm>>) target(%arg10 : memref<64x128xf32, #tpu.memory_space<vmem>>) offsets(%dma_start3A_149 : memref<64xi32, #tpu.memory_space<vmem>>) semaphore(%arg20 : memref<!tpu.dma_semaphore, #tpu.memory_space<semaphore_mem>>)
      %gt3A_153 = arith.constant 0 : i32
      %gt3A_154 = arith.cmpi sgt, %scan3A_76, %gt3A_153 : i32
      %convert_element_type3A_155 = arith.extui %gt3A_154 : i1 to i32
      %cond3A_156 = arith.constant 0 : i32
      %cond3A_157 = arith.cmpi ne, %convert_element_type3A_155, %cond3A_156 : i32
      scf.if %cond3A_157 {
        %sub3A = arith.constant 1 : i32
        %sub3A_393 = arith.subi %scan3A_76, %sub3A : i32
        %mul3A_394 = arith.constant 10 : i32
        %mul3A_395 = arith.muli %sub3A_393, %mul3A_394 : i32
        %add3A_396 = arith.constant 5 : i32
        %add3A_397 = arith.addi %mul3A_395, %add3A_396 : i32
        %mul3A_398 = arith.constant 64 : i32
        %mul3A_399 = arith.muli %add3A_397, %mul3A_398 : i32
        %add3A_400 = arith.addi %mul3A_2, %mul3A_399 : i32
        %multiple_of3A_401 = tpu.assume_multiple %add3A_400, 64 : i32
        %dma_wait3A_402 = arith.constant 0 : i32
        %dma_wait3A_403 = tpu.memref_slice %arg4[%multiple_of3A_401, %dma_wait3A_402] : memref<204800x128xf32, #tpu.memory_space<hbm>> -> memref<64x128xf32, #tpu.memory_space<hbm>>
        %dma_wait3A_404 = arith.constant 0 : i32
        %dma_wait3A_405 = tpu.memref_slice %arg4[%multiple_of3A_401, %dma_wait3A_404] : memref<204800x128xf32, #tpu.memory_space<hbm>> -> memref<64x128xf32, #tpu.memory_space<hbm>>
        tpu.wait_dma2 semaphore(%arg31 : memref<!tpu.dma_semaphore, #tpu.memory_space<semaphore_mem>>) src(%arg11 : memref<64x128xf32, #tpu.memory_space<vmem>>) dst(%dma_wait3A_405 : memref<64x128xf32, #tpu.memory_space<hbm>>)
      } else {
      }
      %mul3A_158 = arith.constant 10 : i32
      %mul3A_159 = arith.muli %scan3A_76, %mul3A_158 : i32
      %add3A_160 = arith.constant 5 : i32
      %add3A_161 = arith.addi %mul3A_159, %add3A_160 : i32
      %mul3A_162 = arith.constant 64 : i32
      %mul3A_163 = arith.muli %add3A_161, %mul3A_162 : i32
      %multiple_of3A_164 = tpu.assume_multiple %mul3A_163, 64 : i32
      %dma_start3A_165 = tpu.memref_slice %arg5[%multiple_of3A_164] : memref<6400xi32, #tpu.memory_space<vmem>> -> memref<64xi32, #tpu.memory_space<vmem>>
      %dma_start3A_166 = arith.constant 0 : i32
      %dma_start3A_167 = arith.constant 0 : i32
      %dma_start3A_168 = tpu.memref_slice %arg3[%dma_start3A_166, %dma_start3A_167] : memref<1000000x128xf32, #tpu.memory_space<hbm>> -> memref<1000000x128xf32, #tpu.memory_space<hbm>>
      tpu.enqueue_indirect_dma source(%dma_start3A_168 : memref<1000000x128xf32, #tpu.memory_space<hbm>>) target(%arg11 : memref<64x128xf32, #tpu.memory_space<vmem>>) offsets(%dma_start3A_165 : memref<64xi32, #tpu.memory_space<vmem>>) semaphore(%arg21 : memref<!tpu.dma_semaphore, #tpu.memory_space<semaphore_mem>>)
      %gt3A_169 = arith.constant 0 : i32
      %gt3A_170 = arith.cmpi sgt, %scan3A_76, %gt3A_169 : i32
      %convert_element_type3A_171 = arith.extui %gt3A_170 : i1 to i32
      %cond3A_172 = arith.constant 0 : i32
      %cond3A_173 = arith.cmpi ne, %convert_element_type3A_171, %cond3A_172 : i32
      scf.if %cond3A_173 {
        %sub3A = arith.constant 1 : i32
        %sub3A_393 = arith.subi %scan3A_76, %sub3A : i32
        %mul3A_394 = arith.constant 10 : i32
        %mul3A_395 = arith.muli %sub3A_393, %mul3A_394 : i32
        %add3A_396 = arith.constant 6 : i32
        %add3A_397 = arith.addi %mul3A_395, %add3A_396 : i32
        %mul3A_398 = arith.constant 64 : i32
        %mul3A_399 = arith.muli %add3A_397, %mul3A_398 : i32
        %add3A_400 = arith.addi %mul3A_2, %mul3A_399 : i32
        %multiple_of3A_401 = tpu.assume_multiple %add3A_400, 64 : i32
        %dma_wait3A_402 = arith.constant 0 : i32
        %dma_wait3A_403 = tpu.memref_slice %arg4[%multiple_of3A_401, %dma_wait3A_402] : memref<204800x128xf32, #tpu.memory_space<hbm>> -> memref<64x128xf32, #tpu.memory_space<hbm>>
        %dma_wait3A_404 = arith.constant 0 : i32
        %dma_wait3A_405 = tpu.memref_slice %arg4[%multiple_of3A_401, %dma_wait3A_404] : memref<204800x128xf32, #tpu.memory_space<hbm>> -> memref<64x128xf32, #tpu.memory_space<hbm>>
        tpu.wait_dma2 semaphore(%arg32 : memref<!tpu.dma_semaphore, #tpu.memory_space<semaphore_mem>>) src(%arg12 : memref<64x128xf32, #tpu.memory_space<vmem>>) dst(%dma_wait3A_405 : memref<64x128xf32, #tpu.memory_space<hbm>>)
      } else {
      }
      %mul3A_174 = arith.constant 10 : i32
      %mul3A_175 = arith.muli %scan3A_76, %mul3A_174 : i32
      %add3A_176 = arith.constant 6 : i32
      %add3A_177 = arith.addi %mul3A_175, %add3A_176 : i32
      %mul3A_178 = arith.constant 64 : i32
      %mul3A_179 = arith.muli %add3A_177, %mul3A_178 : i32
      %multiple_of3A_180 = tpu.assume_multiple %mul3A_179, 64 : i32
      %dma_start3A_181 = tpu.memref_slice %arg5[%multiple_of3A_180] : memref<6400xi32, #tpu.memory_space<vmem>> -> memref<64xi32, #tpu.memory_space<vmem>>
      %dma_start3A_182 = arith.constant 0 : i32
      %dma_start3A_183 = arith.constant 0 : i32
      %dma_start3A_184 = tpu.memref_slice %arg3[%dma_start3A_182, %dma_start3A_183] : memref<1000000x128xf32, #tpu.memory_space<hbm>> -> memref<1000000x128xf32, #tpu.memory_space<hbm>>
      tpu.enqueue_indirect_dma source(%dma_start3A_184 : memref<1000000x128xf32, #tpu.memory_space<hbm>>) target(%arg12 : memref<64x128xf32, #tpu.memory_space<vmem>>) offsets(%dma_start3A_181 : memref<64xi32, #tpu.memory_space<vmem>>) semaphore(%arg22 : memref<!tpu.dma_semaphore, #tpu.memory_space<semaphore_mem>>)
      %gt3A_185 = arith.constant 0 : i32
      %gt3A_186 = arith.cmpi sgt, %scan3A_76, %gt3A_185 : i32
      %convert_element_type3A_187 = arith.extui %gt3A_186 : i1 to i32
      %cond3A_188 = arith.constant 0 : i32
      %cond3A_189 = arith.cmpi ne, %convert_element_type3A_187, %cond3A_188 : i32
      scf.if %cond3A_189 {
        %sub3A = arith.constant 1 : i32
        %sub3A_393 = arith.subi %scan3A_76, %sub3A : i32
        %mul3A_394 = arith.constant 10 : i32
        %mul3A_395 = arith.muli %sub3A_393, %mul3A_394 : i32
        %add3A_396 = arith.constant 7 : i32
        %add3A_397 = arith.addi %mul3A_395, %add3A_396 : i32
        %mul3A_398 = arith.constant 64 : i32
        %mul3A_399 = arith.muli %add3A_397, %mul3A_398 : i32
        %add3A_400 = arith.addi %mul3A_2, %mul3A_399 : i32
        %multiple_of3A_401 = tpu.assume_multiple %add3A_400, 64 : i32
        %dma_wait3A_402 = arith.constant 0 : i32
        %dma_wait3A_403 = tpu.memref_slice %arg4[%multiple_of3A_401, %dma_wait3A_402] : memref<204800x128xf32, #tpu.memory_space<hbm>> -> memref<64x128xf32, #tpu.memory_space<hbm>>
        %dma_wait3A_404 = arith.constant 0 : i32
        %dma_wait3A_405 = tpu.memref_slice %arg4[%multiple_of3A_401, %dma_wait3A_404] : memref<204800x128xf32, #tpu.memory_space<hbm>> -> memref<64x128xf32, #tpu.memory_space<hbm>>
        tpu.wait_dma2 semaphore(%arg33 : memref<!tpu.dma_semaphore, #tpu.memory_space<semaphore_mem>>) src(%arg13 : memref<64x128xf32, #tpu.memory_space<vmem>>) dst(%dma_wait3A_405 : memref<64x128xf32, #tpu.memory_space<hbm>>)
      } else {
      }
      %mul3A_190 = arith.constant 10 : i32
      %mul3A_191 = arith.muli %scan3A_76, %mul3A_190 : i32
      %add3A_192 = arith.constant 7 : i32
      %add3A_193 = arith.addi %mul3A_191, %add3A_192 : i32
      %mul3A_194 = arith.constant 64 : i32
      %mul3A_195 = arith.muli %add3A_193, %mul3A_194 : i32
      %multiple_of3A_196 = tpu.assume_multiple %mul3A_195, 64 : i32
      %dma_start3A_197 = tpu.memref_slice %arg5[%multiple_of3A_196] : memref<6400xi32, #tpu.memory_space<vmem>> -> memref<64xi32, #tpu.memory_space<vmem>>
      %dma_start3A_198 = arith.constant 0 : i32
      %dma_start3A_199 = arith.constant 0 : i32
      %dma_start3A_200 = tpu.memref_slice %arg3[%dma_start3A_198, %dma_start3A_199] : memref<1000000x128xf32, #tpu.memory_space<hbm>> -> memref<1000000x128xf32, #tpu.memory_space<hbm>>
      tpu.enqueue_indirect_dma source(%dma_start3A_200 : memref<1000000x128xf32, #tpu.memory_space<hbm>>) target(%arg13 : memref<64x128xf32, #tpu.memory_space<vmem>>) offsets(%dma_start3A_197 : memref<64xi32, #tpu.memory_space<vmem>>) semaphore(%arg23 : memref<!tpu.dma_semaphore, #tpu.memory_space<semaphore_mem>>)
      %gt3A_201 = arith.constant 0 : i32
      %gt3A_202 = arith.cmpi sgt, %scan3A_76, %gt3A_201 : i32
      %convert_element_type3A_203 = arith.extui %gt3A_202 : i1 to i32
      %cond3A_204 = arith.constant 0 : i32
      %cond3A_205 = arith.cmpi ne, %convert_element_type3A_203, %cond3A_204 : i32
      scf.if %cond3A_205 {
        %sub3A = arith.constant 1 : i32
        %sub3A_393 = arith.subi %scan3A_76, %sub3A : i32
        %mul3A_394 = arith.constant 10 : i32
        %mul3A_395 = arith.muli %sub3A_393, %mul3A_394 : i32
        %add3A_396 = arith.constant 8 : i32
        %add3A_397 = arith.addi %mul3A_395, %add3A_396 : i32
        %mul3A_398 = arith.constant 64 : i32
        %mul3A_399 = arith.muli %add3A_397, %mul3A_398 : i32
        %add3A_400 = arith.addi %mul3A_2, %mul3A_399 : i32
        %multiple_of3A_401 = tpu.assume_multiple %add3A_400, 64 : i32
        %dma_wait3A_402 = arith.constant 0 : i32
        %dma_wait3A_403 = tpu.memref_slice %arg4[%multiple_of3A_401, %dma_wait3A_402] : memref<204800x128xf32, #tpu.memory_space<hbm>> -> memref<64x128xf32, #tpu.memory_space<hbm>>
        %dma_wait3A_404 = arith.constant 0 : i32
        %dma_wait3A_405 = tpu.memref_slice %arg4[%multiple_of3A_401, %dma_wait3A_404] : memref<204800x128xf32, #tpu.memory_space<hbm>> -> memref<64x128xf32, #tpu.memory_space<hbm>>
        tpu.wait_dma2 semaphore(%arg34 : memref<!tpu.dma_semaphore, #tpu.memory_space<semaphore_mem>>) src(%arg14 : memref<64x128xf32, #tpu.memory_space<vmem>>) dst(%dma_wait3A_405 : memref<64x128xf32, #tpu.memory_space<hbm>>)
      } else {
      }
      %mul3A_206 = arith.constant 10 : i32
      %mul3A_207 = arith.muli %scan3A_76, %mul3A_206 : i32
      %add3A_208 = arith.constant 8 : i32
      %add3A_209 = arith.addi %mul3A_207, %add3A_208 : i32
      %mul3A_210 = arith.constant 64 : i32
      %mul3A_211 = arith.muli %add3A_209, %mul3A_210 : i32
      %multiple_of3A_212 = tpu.assume_multiple %mul3A_211, 64 : i32
      %dma_start3A_213 = tpu.memref_slice %arg5[%multiple_of3A_212] : memref<6400xi32, #tpu.memory_space<vmem>> -> memref<64xi32, #tpu.memory_space<vmem>>
      %dma_start3A_214 = arith.constant 0 : i32
      %dma_start3A_215 = arith.constant 0 : i32
      %dma_start3A_216 = tpu.memref_slice %arg3[%dma_start3A_214, %dma_start3A_215] : memref<1000000x128xf32, #tpu.memory_space<hbm>> -> memref<1000000x128xf32, #tpu.memory_space<hbm>>
      tpu.enqueue_indirect_dma source(%dma_start3A_216 : memref<1000000x128xf32, #tpu.memory_space<hbm>>) target(%arg14 : memref<64x128xf32, #tpu.memory_space<vmem>>) offsets(%dma_start3A_213 : memref<64xi32, #tpu.memory_space<vmem>>) semaphore(%arg24 : memref<!tpu.dma_semaphore, #tpu.memory_space<semaphore_mem>>)
      %gt3A_217 = arith.constant 0 : i32
      %gt3A_218 = arith.cmpi sgt, %scan3A_76, %gt3A_217 : i32
      %convert_element_type3A_219 = arith.extui %gt3A_218 : i1 to i32
      %cond3A_220 = arith.constant 0 : i32
      %cond3A_221 = arith.cmpi ne, %convert_element_type3A_219, %cond3A_220 : i32
      scf.if %cond3A_221 {
        %sub3A = arith.constant 1 : i32
        %sub3A_393 = arith.subi %scan3A_76, %sub3A : i32
        %mul3A_394 = arith.constant 10 : i32
        %mul3A_395 = arith.muli %sub3A_393, %mul3A_394 : i32
        %add3A_396 = arith.constant 9 : i32
        %add3A_397 = arith.addi %mul3A_395, %add3A_396 : i32
        %mul3A_398 = arith.constant 64 : i32
        %mul3A_399 = arith.muli %add3A_397, %mul3A_398 : i32
        %add3A_400 = arith.addi %mul3A_2, %mul3A_399 : i32
        %multiple_of3A_401 = tpu.assume_multiple %add3A_400, 64 : i32
        %dma_wait3A_402 = arith.constant 0 : i32
        %dma_wait3A_403 = tpu.memref_slice %arg4[%multiple_of3A_401, %dma_wait3A_402] : memref<204800x128xf32, #tpu.memory_space<hbm>> -> memref<64x128xf32, #tpu.memory_space<hbm>>
        %dma_wait3A_404 = arith.constant 0 : i32
        %dma_wait3A_405 = tpu.memref_slice %arg4[%multiple_of3A_401, %dma_wait3A_404] : memref<204800x128xf32, #tpu.memory_space<hbm>> -> memref<64x128xf32, #tpu.memory_space<hbm>>
        tpu.wait_dma2 semaphore(%arg35 : memref<!tpu.dma_semaphore, #tpu.memory_space<semaphore_mem>>) src(%arg15 : memref<64x128xf32, #tpu.memory_space<vmem>>) dst(%dma_wait3A_405 : memref<64x128xf32, #tpu.memory_space<hbm>>)
      } else {
      }
      %mul3A_222 = arith.constant 10 : i32
      %mul3A_223 = arith.muli %scan3A_76, %mul3A_222 : i32
      %add3A_224 = arith.constant 9 : i32
      %add3A_225 = arith.addi %mul3A_223, %add3A_224 : i32
      %mul3A_226 = arith.constant 64 : i32
      %mul3A_227 = arith.muli %add3A_225, %mul3A_226 : i32
      %multiple_of3A_228 = tpu.assume_multiple %mul3A_227, 64 : i32
      %dma_start3A_229 = tpu.memref_slice %arg5[%multiple_of3A_228] : memref<6400xi32, #tpu.memory_space<vmem>> -> memref<64xi32, #tpu.memory_space<vmem>>
      %dma_start3A_230 = arith.constant 0 : i32
      %dma_start3A_231 = arith.constant 0 : i32
      %dma_start3A_232 = tpu.memref_slice %arg3[%dma_start3A_230, %dma_start3A_231] : memref<1000000x128xf32, #tpu.memory_space<hbm>> -> memref<1000000x128xf32, #tpu.memory_space<hbm>>
      tpu.enqueue_indirect_dma source(%dma_start3A_232 : memref<1000000x128xf32, #tpu.memory_space<hbm>>) target(%arg15 : memref<64x128xf32, #tpu.memory_space<vmem>>) offsets(%dma_start3A_229 : memref<64xi32, #tpu.memory_space<vmem>>) semaphore(%arg25 : memref<!tpu.dma_semaphore, #tpu.memory_space<semaphore_mem>>)
      %dma_wait3A_233 = tpu.memref_slice %arg5[%multiple_of3A_85] : memref<6400xi32, #tpu.memory_space<vmem>> -> memref<64xi32, #tpu.memory_space<vmem>>
      %dma_wait3A_234 = arith.constant 0 : i32
      %dma_wait3A_235 = arith.constant 0 : i32
      %dma_wait3A_236 = tpu.memref_slice %arg3[%dma_wait3A_234, %dma_wait3A_235] : memref<1000000x128xf32, #tpu.memory_space<hbm>> -> memref<1000000x128xf32, #tpu.memory_space<hbm>>
      tpu.wait_indirect_dma semaphore(%arg16 : memref<!tpu.dma_semaphore, #tpu.memory_space<semaphore_mem>>) src(%dma_wait3A_236 : memref<1000000x128xf32, #tpu.memory_space<hbm>>) dst(%arg6 : memref<64x128xf32, #tpu.memory_space<vmem>>)
      %mul3A_237 = arith.constant 10 : i32
      %mul3A_238 = arith.muli %scan3A_76, %mul3A_237 : i32
      %add3A_239 = arith.constant 0 : i32
      %add3A_240 = arith.addi %mul3A_238, %add3A_239 : i32
      %mul3A_241 = arith.constant 64 : i32
      %mul3A_242 = arith.muli %add3A_240, %mul3A_241 : i32
      %add3A_243 = arith.addi %mul3A_2, %mul3A_242 : i32
      %multiple_of3A_244 = tpu.assume_multiple %add3A_243, 64 : i32
      %dma_start3A_245 = arith.constant 0 : i32
      %dma_start3A_246 = tpu.memref_slice %arg4[%multiple_of3A_244, %dma_start3A_245] : memref<204800x128xf32, #tpu.memory_space<hbm>> -> memref<64x128xf32, #tpu.memory_space<hbm>>
      %dma_start3A_247 = arith.constant 0 : i32
      %dma_start3A_248 = tpu.memref_slice %arg4[%multiple_of3A_244, %dma_start3A_247] : memref<204800x128xf32, #tpu.memory_space<hbm>> -> memref<64x128xf32, #tpu.memory_space<hbm>>
      tpu.enqueue_dma source(%arg6 : memref<64x128xf32, #tpu.memory_space<vmem>>) target(%dma_start3A_248 : memref<64x128xf32, #tpu.memory_space<hbm>>) target_semaphore(%arg26 : memref<!tpu.dma_semaphore, #tpu.memory_space<semaphore_mem>>)
      %dma_wait3A_249 = tpu.memref_slice %arg5[%multiple_of3A_100] : memref<6400xi32, #tpu.memory_space<vmem>> -> memref<64xi32, #tpu.memory_space<vmem>>
      %dma_wait3A_250 = arith.constant 0 : i32
      %dma_wait3A_251 = arith.constant 0 : i32
      %dma_wait3A_252 = tpu.memref_slice %arg3[%dma_wait3A_250, %dma_wait3A_251] : memref<1000000x128xf32, #tpu.memory_space<hbm>> -> memref<1000000x128xf32, #tpu.memory_space<hbm>>
      tpu.wait_indirect_dma semaphore(%arg17 : memref<!tpu.dma_semaphore, #tpu.memory_space<semaphore_mem>>) src(%dma_wait3A_252 : memref<1000000x128xf32, #tpu.memory_space<hbm>>) dst(%arg7 : memref<64x128xf32, #tpu.memory_space<vmem>>)
      %mul3A_253 = arith.constant 10 : i32
      %mul3A_254 = arith.muli %scan3A_76, %mul3A_253 : i32
      %add3A_255 = arith.constant 1 : i32
      %add3A_256 = arith.addi %mul3A_254, %add3A_255 : i32
      %mul3A_257 = arith.constant 64 : i32
      %mul3A_258 = arith.muli %add3A_256, %mul3A_257 : i32
      %add3A_259 = arith.addi %mul3A_2, %mul3A_258 : i32
      %multiple_of3A_260 = tpu.assume_multiple %add3A_259, 64 : i32
      %dma_start3A_261 = arith.constant 0 : i32
      %dma_start3A_262 = tpu.memref_slice %arg4[%multiple_of3A_260, %dma_start3A_261] : memref<204800x128xf32, #tpu.memory_space<hbm>> -> memref<64x128xf32, #tpu.memory_space<hbm>>
      %dma_start3A_263 = arith.constant 0 : i32
      %dma_start3A_264 = tpu.memref_slice %arg4[%multiple_of3A_260, %dma_start3A_263] : memref<204800x128xf32, #tpu.memory_space<hbm>> -> memref<64x128xf32, #tpu.memory_space<hbm>>
      tpu.enqueue_dma source(%arg7 : memref<64x128xf32, #tpu.memory_space<vmem>>) target(%dma_start3A_264 : memref<64x128xf32, #tpu.memory_space<hbm>>) target_semaphore(%arg27 : memref<!tpu.dma_semaphore, #tpu.memory_space<semaphore_mem>>)
      %dma_wait3A_265 = tpu.memref_slice %arg5[%multiple_of3A_116] : memref<6400xi32, #tpu.memory_space<vmem>> -> memref<64xi32, #tpu.memory_space<vmem>>
      %dma_wait3A_266 = arith.constant 0 : i32
      %dma_wait3A_267 = arith.constant 0 : i32
      %dma_wait3A_268 = tpu.memref_slice %arg3[%dma_wait3A_266, %dma_wait3A_267] : memref<1000000x128xf32, #tpu.memory_space<hbm>> -> memref<1000000x128xf32, #tpu.memory_space<hbm>>
      tpu.wait_indirect_dma semaphore(%arg18 : memref<!tpu.dma_semaphore, #tpu.memory_space<semaphore_mem>>) src(%dma_wait3A_268 : memref<1000000x128xf32, #tpu.memory_space<hbm>>) dst(%arg8 : memref<64x128xf32, #tpu.memory_space<vmem>>)
      %mul3A_269 = arith.constant 10 : i32
      %mul3A_270 = arith.muli %scan3A_76, %mul3A_269 : i32
      %add3A_271 = arith.constant 2 : i32
      %add3A_272 = arith.addi %mul3A_270, %add3A_271 : i32
      %mul3A_273 = arith.constant 64 : i32
      %mul3A_274 = arith.muli %add3A_272, %mul3A_273 : i32
      %add3A_275 = arith.addi %mul3A_2, %mul3A_274 : i32
      %multiple_of3A_276 = tpu.assume_multiple %add3A_275, 64 : i32
      %dma_start3A_277 = arith.constant 0 : i32
      %dma_start3A_278 = tpu.memref_slice %arg4[%multiple_of3A_276, %dma_start3A_277] : memref<204800x128xf32, #tpu.memory_space<hbm>> -> memref<64x128xf32, #tpu.memory_space<hbm>>
      %dma_start3A_279 = arith.constant 0 : i32
      %dma_start3A_280 = tpu.memref_slice %arg4[%multiple_of3A_276, %dma_start3A_279] : memref<204800x128xf32, #tpu.memory_space<hbm>> -> memref<64x128xf32, #tpu.memory_space<hbm>>
      tpu.enqueue_dma source(%arg8 : memref<64x128xf32, #tpu.memory_space<vmem>>) target(%dma_start3A_280 : memref<64x128xf32, #tpu.memory_space<hbm>>) target_semaphore(%arg28 : memref<!tpu.dma_semaphore, #tpu.memory_space<semaphore_mem>>)
      %dma_wait3A_281 = tpu.memref_slice %arg5[%multiple_of3A_132] : memref<6400xi32, #tpu.memory_space<vmem>> -> memref<64xi32, #tpu.memory_space<vmem>>
      %dma_wait3A_282 = arith.constant 0 : i32
      %dma_wait3A_283 = arith.constant 0 : i32
      %dma_wait3A_284 = tpu.memref_slice %arg3[%dma_wait3A_282, %dma_wait3A_283] : memref<1000000x128xf32, #tpu.memory_space<hbm>> -> memref<1000000x128xf32, #tpu.memory_space<hbm>>
      tpu.wait_indirect_dma semaphore(%arg19 : memref<!tpu.dma_semaphore, #tpu.memory_space<semaphore_mem>>) src(%dma_wait3A_284 : memref<1000000x128xf32, #tpu.memory_space<hbm>>) dst(%arg9 : memref<64x128xf32, #tpu.memory_space<vmem>>)
      %mul3A_285 = arith.constant 10 : i32
      %mul3A_286 = arith.muli %scan3A_76, %mul3A_285 : i32
      %add3A_287 = arith.constant 3 : i32
      %add3A_288 = arith.addi %mul3A_286, %add3A_287 : i32
      %mul3A_289 = arith.constant 64 : i32
      %mul3A_290 = arith.muli %add3A_288, %mul3A_289 : i32
      %add3A_291 = arith.addi %mul3A_2, %mul3A_290 : i32
      %multiple_of3A_292 = tpu.assume_multiple %add3A_291, 64 : i32
      %dma_start3A_293 = arith.constant 0 : i32
      %dma_start3A_294 = tpu.memref_slice %arg4[%multiple_of3A_292, %dma_start3A_293] : memref<204800x128xf32, #tpu.memory_space<hbm>> -> memref<64x128xf32, #tpu.memory_space<hbm>>
      %dma_start3A_295 = arith.constant 0 : i32
      %dma_start3A_296 = tpu.memref_slice %arg4[%multiple_of3A_292, %dma_start3A_295] : memref<204800x128xf32, #tpu.memory_space<hbm>> -> memref<64x128xf32, #tpu.memory_space<hbm>>
      tpu.enqueue_dma source(%arg9 : memref<64x128xf32, #tpu.memory_space<vmem>>) target(%dma_start3A_296 : memref<64x128xf32, #tpu.memory_space<hbm>>) target_semaphore(%arg29 : memref<!tpu.dma_semaphore, #tpu.memory_space<semaphore_mem>>)
      %dma_wait3A_297 = tpu.memref_slice %arg5[%multiple_of3A_148] : memref<6400xi32, #tpu.memory_space<vmem>> -> memref<64xi32, #tpu.memory_space<vmem>>
      %dma_wait3A_298 = arith.constant 0 : i32
      %dma_wait3A_299 = arith.constant 0 : i32
      %dma_wait3A_300 = tpu.memref_slice %arg3[%dma_wait3A_298, %dma_wait3A_299] : memref<1000000x128xf32, #tpu.memory_space<hbm>> -> memref<1000000x128xf32, #tpu.memory_space<hbm>>
      tpu.wait_indirect_dma semaphore(%arg20 : memref<!tpu.dma_semaphore, #tpu.memory_space<semaphore_mem>>) src(%dma_wait3A_300 : memref<1000000x128xf32, #tpu.memory_space<hbm>>) dst(%arg10 : memref<64x128xf32, #tpu.memory_space<vmem>>)
      %mul3A_301 = arith.constant 10 : i32
      %mul3A_302 = arith.muli %scan3A_76, %mul3A_301 : i32
      %add3A_303 = arith.constant 4 : i32
      %add3A_304 = arith.addi %mul3A_302, %add3A_303 : i32
      %mul3A_305 = arith.constant 64 : i32
      %mul3A_306 = arith.muli %add3A_304, %mul3A_305 : i32
      %add3A_307 = arith.addi %mul3A_2, %mul3A_306 : i32
      %multiple_of3A_308 = tpu.assume_multiple %add3A_307, 64 : i32
      %dma_start3A_309 = arith.constant 0 : i32
      %dma_start3A_310 = tpu.memref_slice %arg4[%multiple_of3A_308, %dma_start3A_309] : memref<204800x128xf32, #tpu.memory_space<hbm>> -> memref<64x128xf32, #tpu.memory_space<hbm>>
      %dma_start3A_311 = arith.constant 0 : i32
      %dma_start3A_312 = tpu.memref_slice %arg4[%multiple_of3A_308, %dma_start3A_311] : memref<204800x128xf32, #tpu.memory_space<hbm>> -> memref<64x128xf32, #tpu.memory_space<hbm>>
      tpu.enqueue_dma source(%arg10 : memref<64x128xf32, #tpu.memory_space<vmem>>) target(%dma_start3A_312 : memref<64x128xf32, #tpu.memory_space<hbm>>) target_semaphore(%arg30 : memref<!tpu.dma_semaphore, #tpu.memory_space<semaphore_mem>>)
      %dma_wait3A_313 = tpu.memref_slice %arg5[%multiple_of3A_164] : memref<6400xi32, #tpu.memory_space<vmem>> -> memref<64xi32, #tpu.memory_space<vmem>>
      %dma_wait3A_314 = arith.constant 0 : i32
      %dma_wait3A_315 = arith.constant 0 : i32
      %dma_wait3A_316 = tpu.memref_slice %arg3[%dma_wait3A_314, %dma_wait3A_315] : memref<1000000x128xf32, #tpu.memory_space<hbm>> -> memref<1000000x128xf32, #tpu.memory_space<hbm>>
      tpu.wait_indirect_dma semaphore(%arg21 : memref<!tpu.dma_semaphore, #tpu.memory_space<semaphore_mem>>) src(%dma_wait3A_316 : memref<1000000x128xf32, #tpu.memory_space<hbm>>) dst(%arg11 : memref<64x128xf32, #tpu.memory_space<vmem>>)
      %mul3A_317 = arith.constant 10 : i32
      %mul3A_318 = arith.muli %scan3A_76, %mul3A_317 : i32
      %add3A_319 = arith.constant 5 : i32
      %add3A_320 = arith.addi %mul3A_318, %add3A_319 : i32
      %mul3A_321 = arith.constant 64 : i32
      %mul3A_322 = arith.muli %add3A_320, %mul3A_321 : i32
      %add3A_323 = arith.addi %mul3A_2, %mul3A_322 : i32
      %multiple_of3A_324 = tpu.assume_multiple %add3A_323, 64 : i32
      %dma_start3A_325 = arith.constant 0 : i32
      %dma_start3A_326 = tpu.memref_slice %arg4[%multiple_of3A_324, %dma_start3A_325] : memref<204800x128xf32, #tpu.memory_space<hbm>> -> memref<64x128xf32, #tpu.memory_space<hbm>>
      %dma_start3A_327 = arith.constant 0 : i32
      %dma_start3A_328 = tpu.memref_slice %arg4[%multiple_of3A_324, %dma_start3A_327] : memref<204800x128xf32, #tpu.memory_space<hbm>> -> memref<64x128xf32, #tpu.memory_space<hbm>>
      tpu.enqueue_dma source(%arg11 : memref<64x128xf32, #tpu.memory_space<vmem>>) target(%dma_start3A_328 : memref<64x128xf32, #tpu.memory_space<hbm>>) target_semaphore(%arg31 : memref<!tpu.dma_semaphore, #tpu.memory_space<semaphore_mem>>)
      %dma_wait3A_329 = tpu.memref_slice %arg5[%multiple_of3A_180] : memref<6400xi32, #tpu.memory_space<vmem>> -> memref<64xi32, #tpu.memory_space<vmem>>
      %dma_wait3A_330 = arith.constant 0 : i32
      %dma_wait3A_331 = arith.constant 0 : i32
      %dma_wait3A_332 = tpu.memref_slice %arg3[%dma_wait3A_330, %dma_wait3A_331] : memref<1000000x128xf32, #tpu.memory_space<hbm>> -> memref<1000000x128xf32, #tpu.memory_space<hbm>>
      tpu.wait_indirect_dma semaphore(%arg22 : memref<!tpu.dma_semaphore, #tpu.memory_space<semaphore_mem>>) src(%dma_wait3A_332 : memref<1000000x128xf32, #tpu.memory_space<hbm>>) dst(%arg12 : memref<64x128xf32, #tpu.memory_space<vmem>>)
      %mul3A_333 = arith.constant 10 : i32
      %mul3A_334 = arith.muli %scan3A_76, %mul3A_333 : i32
      %add3A_335 = arith.constant 6 : i32
      %add3A_336 = arith.addi %mul3A_334, %add3A_335 : i32
      %mul3A_337 = arith.constant 64 : i32
      %mul3A_338 = arith.muli %add3A_336, %mul3A_337 : i32
      %add3A_339 = arith.addi %mul3A_2, %mul3A_338 : i32
      %multiple_of3A_340 = tpu.assume_multiple %add3A_339, 64 : i32
      %dma_start3A_341 = arith.constant 0 : i32
      %dma_start3A_342 = tpu.memref_slice %arg4[%multiple_of3A_340, %dma_start3A_341] : memref<204800x128xf32, #tpu.memory_space<hbm>> -> memref<64x128xf32, #tpu.memory_space<hbm>>
      %dma_start3A_343 = arith.constant 0 : i32
      %dma_start3A_344 = tpu.memref_slice %arg4[%multiple_of3A_340, %dma_start3A_343] : memref<204800x128xf32, #tpu.memory_space<hbm>> -> memref<64x128xf32, #tpu.memory_space<hbm>>
      tpu.enqueue_dma source(%arg12 : memref<64x128xf32, #tpu.memory_space<vmem>>) target(%dma_start3A_344 : memref<64x128xf32, #tpu.memory_space<hbm>>) target_semaphore(%arg32 : memref<!tpu.dma_semaphore, #tpu.memory_space<semaphore_mem>>)
      %dma_wait3A_345 = tpu.memref_slice %arg5[%multiple_of3A_196] : memref<6400xi32, #tpu.memory_space<vmem>> -> memref<64xi32, #tpu.memory_space<vmem>>
      %dma_wait3A_346 = arith.constant 0 : i32
      %dma_wait3A_347 = arith.constant 0 : i32
      %dma_wait3A_348 = tpu.memref_slice %arg3[%dma_wait3A_346, %dma_wait3A_347] : memref<1000000x128xf32, #tpu.memory_space<hbm>> -> memref<1000000x128xf32, #tpu.memory_space<hbm>>
      tpu.wait_indirect_dma semaphore(%arg23 : memref<!tpu.dma_semaphore, #tpu.memory_space<semaphore_mem>>) src(%dma_wait3A_348 : memref<1000000x128xf32, #tpu.memory_space<hbm>>) dst(%arg13 : memref<64x128xf32, #tpu.memory_space<vmem>>)
      %mul3A_349 = arith.constant 10 : i32
      %mul3A_350 = arith.muli %scan3A_76, %mul3A_349 : i32
      %add3A_351 = arith.constant 7 : i32
      %add3A_352 = arith.addi %mul3A_350, %add3A_351 : i32
      %mul3A_353 = arith.constant 64 : i32
      %mul3A_354 = arith.muli %add3A_352, %mul3A_353 : i32
      %add3A_355 = arith.addi %mul3A_2, %mul3A_354 : i32
      %multiple_of3A_356 = tpu.assume_multiple %add3A_355, 64 : i32
      %dma_start3A_357 = arith.constant 0 : i32
      %dma_start3A_358 = tpu.memref_slice %arg4[%multiple_of3A_356, %dma_start3A_357] : memref<204800x128xf32, #tpu.memory_space<hbm>> -> memref<64x128xf32, #tpu.memory_space<hbm>>
      %dma_start3A_359 = arith.constant 0 : i32
      %dma_start3A_360 = tpu.memref_slice %arg4[%multiple_of3A_356, %dma_start3A_359] : memref<204800x128xf32, #tpu.memory_space<hbm>> -> memref<64x128xf32, #tpu.memory_space<hbm>>
      tpu.enqueue_dma source(%arg13 : memref<64x128xf32, #tpu.memory_space<vmem>>) target(%dma_start3A_360 : memref<64x128xf32, #tpu.memory_space<hbm>>) target_semaphore(%arg33 : memref<!tpu.dma_semaphore, #tpu.memory_space<semaphore_mem>>)
      %dma_wait3A_361 = tpu.memref_slice %arg5[%multiple_of3A_212] : memref<6400xi32, #tpu.memory_space<vmem>> -> memref<64xi32, #tpu.memory_space<vmem>>
      %dma_wait3A_362 = arith.constant 0 : i32
      %dma_wait3A_363 = arith.constant 0 : i32
      %dma_wait3A_364 = tpu.memref_slice %arg3[%dma_wait3A_362, %dma_wait3A_363] : memref<1000000x128xf32, #tpu.memory_space<hbm>> -> memref<1000000x128xf32, #tpu.memory_space<hbm>>
      tpu.wait_indirect_dma semaphore(%arg24 : memref<!tpu.dma_semaphore, #tpu.memory_space<semaphore_mem>>) src(%dma_wait3A_364 : memref<1000000x128xf32, #tpu.memory_space<hbm>>) dst(%arg14 : memref<64x128xf32, #tpu.memory_space<vmem>>)
      %mul3A_365 = arith.constant 10 : i32
      %mul3A_366 = arith.muli %scan3A_76, %mul3A_365 : i32
      %add3A_367 = arith.constant 8 : i32
      %add3A_368 = arith.addi %mul3A_366, %add3A_367 : i32
      %mul3A_369 = arith.constant 64 : i32
      %mul3A_370 = arith.muli %add3A_368, %mul3A_369 : i32
      %add3A_371 = arith.addi %mul3A_2, %mul3A_370 : i32
      %multiple_of3A_372 = tpu.assume_multiple %add3A_371, 64 : i32
      %dma_start3A_373 = arith.constant 0 : i32
      %dma_start3A_374 = tpu.memref_slice %arg4[%multiple_of3A_372, %dma_start3A_373] : memref<204800x128xf32, #tpu.memory_space<hbm>> -> memref<64x128xf32, #tpu.memory_space<hbm>>
      %dma_start3A_375 = arith.constant 0 : i32
      %dma_start3A_376 = tpu.memref_slice %arg4[%multiple_of3A_372, %dma_start3A_375] : memref<204800x128xf32, #tpu.memory_space<hbm>> -> memref<64x128xf32, #tpu.memory_space<hbm>>
      tpu.enqueue_dma source(%arg14 : memref<64x128xf32, #tpu.memory_space<vmem>>) target(%dma_start3A_376 : memref<64x128xf32, #tpu.memory_space<hbm>>) target_semaphore(%arg34 : memref<!tpu.dma_semaphore, #tpu.memory_space<semaphore_mem>>)
      %dma_wait3A_377 = tpu.memref_slice %arg5[%multiple_of3A_228] : memref<6400xi32, #tpu.memory_space<vmem>> -> memref<64xi32, #tpu.memory_space<vmem>>
      %dma_wait3A_378 = arith.constant 0 : i32
      %dma_wait3A_379 = arith.constant 0 : i32
      %dma_wait3A_380 = tpu.memref_slice %arg3[%dma_wait3A_378, %dma_wait3A_379] : memref<1000000x128xf32, #tpu.memory_space<hbm>> -> memref<1000000x128xf32, #tpu.memory_space<hbm>>
      tpu.wait_indirect_dma semaphore(%arg25 : memref<!tpu.dma_semaphore, #tpu.memory_space<semaphore_mem>>) src(%dma_wait3A_380 : memref<1000000x128xf32, #tpu.memory_space<hbm>>) dst(%arg15 : memref<64x128xf32, #tpu.memory_space<vmem>>)
      %mul3A_381 = arith.constant 10 : i32
      %mul3A_382 = arith.muli %scan3A_76, %mul3A_381 : i32
      %add3A_383 = arith.constant 9 : i32
      %add3A_384 = arith.addi %mul3A_382, %add3A_383 : i32
      %mul3A_385 = arith.constant 64 : i32
      %mul3A_386 = arith.muli %add3A_384, %mul3A_385 : i32
      %add3A_387 = arith.addi %mul3A_2, %mul3A_386 : i32
      %multiple_of3A_388 = tpu.assume_multiple %add3A_387, 64 : i32
      %dma_start3A_389 = arith.constant 0 : i32
      %dma_start3A_390 = tpu.memref_slice %arg4[%multiple_of3A_388, %dma_start3A_389] : memref<204800x128xf32, #tpu.memory_space<hbm>> -> memref<64x128xf32, #tpu.memory_space<hbm>>
      %dma_start3A_391 = arith.constant 0 : i32
      %dma_start3A_392 = tpu.memref_slice %arg4[%multiple_of3A_388, %dma_start3A_391] : memref<204800x128xf32, #tpu.memory_space<hbm>> -> memref<64x128xf32, #tpu.memory_space<hbm>>
      tpu.enqueue_dma source(%arg15 : memref<64x128xf32, #tpu.memory_space<vmem>>) target(%dma_start3A_392 : memref<64x128xf32, #tpu.memory_space<hbm>>) target_semaphore(%arg35 : memref<!tpu.dma_semaphore, #tpu.memory_space<semaphore_mem>>)
    }
    %scan3A_7 = arith.constant 10 : i32
    %add3A_8 = arith.constant 5760 : i32
    %add3A_9 = arith.addi %mul3A_2, %add3A_8 : i32
    %multiple_of3A = tpu.assume_multiple %add3A_9, 64 : i32
    %dma_wait3A = arith.constant 0 : i32
    %dma_wait3A_10 = tpu.memref_slice %arg4[%multiple_of3A, %dma_wait3A] : memref<204800x128xf32, #tpu.memory_space<hbm>> -> memref<64x128xf32, #tpu.memory_space<hbm>>
    %dma_wait3A_11 = arith.constant 0 : i32
    %dma_wait3A_12 = tpu.memref_slice %arg4[%multiple_of3A, %dma_wait3A_11] : memref<204800x128xf32, #tpu.memory_space<hbm>> -> memref<64x128xf32, #tpu.memory_space<hbm>>
    tpu.wait_dma2 semaphore(%arg26 : memref<!tpu.dma_semaphore, #tpu.memory_space<semaphore_mem>>) src(%arg6 : memref<64x128xf32, #tpu.memory_space<vmem>>) dst(%dma_wait3A_12 : memref<64x128xf32, #tpu.memory_space<hbm>>)
    %add3A_13 = arith.constant 5824 : i32
    %add3A_14 = arith.addi %mul3A_2, %add3A_13 : i32
    %multiple_of3A_15 = tpu.assume_multiple %add3A_14, 64 : i32
    %dma_wait3A_16 = arith.constant 0 : i32
    %dma_wait3A_17 = tpu.memref_slice %arg4[%multiple_of3A_15, %dma_wait3A_16] : memref<204800x128xf32, #tpu.memory_space<hbm>> -> memref<64x128xf32, #tpu.memory_space<hbm>>
    %dma_wait3A_18 = arith.constant 0 : i32
    %dma_wait3A_19 = tpu.memref_slice %arg4[%multiple_of3A_15, %dma_wait3A_18] : memref<204800x128xf32, #tpu.memory_space<hbm>> -> memref<64x128xf32, #tpu.memory_space<hbm>>
    tpu.wait_dma2 semaphore(%arg27 : memref<!tpu.dma_semaphore, #tpu.memory_space<semaphore_mem>>) src(%arg7 : memref<64x128xf32, #tpu.memory_space<vmem>>) dst(%dma_wait3A_19 : memref<64x128xf32, #tpu.memory_space<hbm>>)
    %add3A_20 = arith.constant 5888 : i32
    %add3A_21 = arith.addi %mul3A_2, %add3A_20 : i32
    %multiple_of3A_22 = tpu.assume_multiple %add3A_21, 64 : i32
    %dma_wait3A_23 = arith.constant 0 : i32
    %dma_wait3A_24 = tpu.memref_slice %arg4[%multiple_of3A_22, %dma_wait3A_23] : memref<204800x128xf32, #tpu.memory_space<hbm>> -> memref<64x128xf32, #tpu.memory_space<hbm>>
    %dma_wait3A_25 = arith.constant 0 : i32
    %dma_wait3A_26 = tpu.memref_slice %arg4[%multiple_of3A_22, %dma_wait3A_25] : memref<204800x128xf32, #tpu.memory_space<hbm>> -> memref<64x128xf32, #tpu.memory_space<hbm>>
    tpu.wait_dma2 semaphore(%arg28 : memref<!tpu.dma_semaphore, #tpu.memory_space<semaphore_mem>>) src(%arg8 : memref<64x128xf32, #tpu.memory_space<vmem>>) dst(%dma_wait3A_26 : memref<64x128xf32, #tpu.memory_space<hbm>>)
    %add3A_27 = arith.constant 5952 : i32
    %add3A_28 = arith.addi %mul3A_2, %add3A_27 : i32
    %multiple_of3A_29 = tpu.assume_multiple %add3A_28, 64 : i32
    %dma_wait3A_30 = arith.constant 0 : i32
    %dma_wait3A_31 = tpu.memref_slice %arg4[%multiple_of3A_29, %dma_wait3A_30] : memref<204800x128xf32, #tpu.memory_space<hbm>> -> memref<64x128xf32, #tpu.memory_space<hbm>>
    %dma_wait3A_32 = arith.constant 0 : i32
    %dma_wait3A_33 = tpu.memref_slice %arg4[%multiple_of3A_29, %dma_wait3A_32] : memref<204800x128xf32, #tpu.memory_space<hbm>> -> memref<64x128xf32, #tpu.memory_space<hbm>>
    tpu.wait_dma2 semaphore(%arg29 : memref<!tpu.dma_semaphore, #tpu.memory_space<semaphore_mem>>) src(%arg9 : memref<64x128xf32, #tpu.memory_space<vmem>>) dst(%dma_wait3A_33 : memref<64x128xf32, #tpu.memory_space<hbm>>)
    %add3A_34 = arith.constant 6016 : i32
    %add3A_35 = arith.addi %mul3A_2, %add3A_34 : i32
    %multiple_of3A_36 = tpu.assume_multiple %add3A_35, 64 : i32
    %dma_wait3A_37 = arith.constant 0 : i32
    %dma_wait3A_38 = tpu.memref_slice %arg4[%multiple_of3A_36, %dma_wait3A_37] : memref<204800x128xf32, #tpu.memory_space<hbm>> -> memref<64x128xf32, #tpu.memory_space<hbm>>
    %dma_wait3A_39 = arith.constant 0 : i32
    %dma_wait3A_40 = tpu.memref_slice %arg4[%multiple_of3A_36, %dma_wait3A_39] : memref<204800x128xf32, #tpu.memory_space<hbm>> -> memref<64x128xf32, #tpu.memory_space<hbm>>
    tpu.wait_dma2 semaphore(%arg30 : memref<!tpu.dma_semaphore, #tpu.memory_space<semaphore_mem>>) src(%arg10 : memref<64x128xf32, #tpu.memory_space<vmem>>) dst(%dma_wait3A_40 : memref<64x128xf32, #tpu.memory_space<hbm>>)
    %add3A_41 = arith.constant 6080 : i32
    %add3A_42 = arith.addi %mul3A_2, %add3A_41 : i32
    %multiple_of3A_43 = tpu.assume_multiple %add3A_42, 64 : i32
    %dma_wait3A_44 = arith.constant 0 : i32
    %dma_wait3A_45 = tpu.memref_slice %arg4[%multiple_of3A_43, %dma_wait3A_44] : memref<204800x128xf32, #tpu.memory_space<hbm>> -> memref<64x128xf32, #tpu.memory_space<hbm>>
    %dma_wait3A_46 = arith.constant 0 : i32
    %dma_wait3A_47 = tpu.memref_slice %arg4[%multiple_of3A_43, %dma_wait3A_46] : memref<204800x128xf32, #tpu.memory_space<hbm>> -> memref<64x128xf32, #tpu.memory_space<hbm>>
    tpu.wait_dma2 semaphore(%arg31 : memref<!tpu.dma_semaphore, #tpu.memory_space<semaphore_mem>>) src(%arg11 : memref<64x128xf32, #tpu.memory_space<vmem>>) dst(%dma_wait3A_47 : memref<64x128xf32, #tpu.memory_space<hbm>>)
    %add3A_48 = arith.constant 6144 : i32
    %add3A_49 = arith.addi %mul3A_2, %add3A_48 : i32
    %multiple_of3A_50 = tpu.assume_multiple %add3A_49, 64 : i32
    %dma_wait3A_51 = arith.constant 0 : i32
    %dma_wait3A_52 = tpu.memref_slice %arg4[%multiple_of3A_50, %dma_wait3A_51] : memref<204800x128xf32, #tpu.memory_space<hbm>> -> memref<64x128xf32, #tpu.memory_space<hbm>>
    %dma_wait3A_53 = arith.constant 0 : i32
    %dma_wait3A_54 = tpu.memref_slice %arg4[%multiple_of3A_50, %dma_wait3A_53] : memref<204800x128xf32, #tpu.memory_space<hbm>> -> memref<64x128xf32, #tpu.memory_space<hbm>>
    tpu.wait_dma2 semaphore(%arg32 : memref<!tpu.dma_semaphore, #tpu.memory_space<semaphore_mem>>) src(%arg12 : memref<64x128xf32, #tpu.memory_space<vmem>>) dst(%dma_wait3A_54 : memref<64x128xf32, #tpu.memory_space<hbm>>)
    %add3A_55 = arith.constant 6208 : i32
    %add3A_56 = arith.addi %mul3A_2, %add3A_55 : i32
    %multiple_of3A_57 = tpu.assume_multiple %add3A_56, 64 : i32
    %dma_wait3A_58 = arith.constant 0 : i32
    %dma_wait3A_59 = tpu.memref_slice %arg4[%multiple_of3A_57, %dma_wait3A_58] : memref<204800x128xf32, #tpu.memory_space<hbm>> -> memref<64x128xf32, #tpu.memory_space<hbm>>
    %dma_wait3A_60 = arith.constant 0 : i32
    %dma_wait3A_61 = tpu.memref_slice %arg4[%multiple_of3A_57, %dma_wait3A_60] : memref<204800x128xf32, #tpu.memory_space<hbm>> -> memref<64x128xf32, #tpu.memory_space<hbm>>
    tpu.wait_dma2 semaphore(%arg33 : memref<!tpu.dma_semaphore, #tpu.memory_space<semaphore_mem>>) src(%arg13 : memref<64x128xf32, #tpu.memory_space<vmem>>) dst(%dma_wait3A_61 : memref<64x128xf32, #tpu.memory_space<hbm>>)
    %add3A_62 = arith.constant 6272 : i32
    %add3A_63 = arith.addi %mul3A_2, %add3A_62 : i32
    %multiple_of3A_64 = tpu.assume_multiple %add3A_63, 64 : i32
    %dma_wait3A_65 = arith.constant 0 : i32
    %dma_wait3A_66 = tpu.memref_slice %arg4[%multiple_of3A_64, %dma_wait3A_65] : memref<204800x128xf32, #tpu.memory_space<hbm>> -> memref<64x128xf32, #tpu.memory_space<hbm>>
    %dma_wait3A_67 = arith.constant 0 : i32
    %dma_wait3A_68 = tpu.memref_slice %arg4[%multiple_of3A_64, %dma_wait3A_67] : memref<204800x128xf32, #tpu.memory_space<hbm>> -> memref<64x128xf32, #tpu.memory_space<hbm>>
    tpu.wait_dma2 semaphore(%arg34 : memref<!tpu.dma_semaphore, #tpu.memory_space<semaphore_mem>>) src(%arg14 : memref<64x128xf32, #tpu.memory_space<vmem>>) dst(%dma_wait3A_68 : memref<64x128xf32, #tpu.memory_space<hbm>>)
    %add3A_69 = arith.constant 6336 : i32
    %add3A_70 = arith.addi %mul3A_2, %add3A_69 : i32
    %multiple_of3A_71 = tpu.assume_multiple %add3A_70, 64 : i32
    %dma_wait3A_72 = arith.constant 0 : i32
    %dma_wait3A_73 = tpu.memref_slice %arg4[%multiple_of3A_71, %dma_wait3A_72] : memref<204800x128xf32, #tpu.memory_space<hbm>> -> memref<64x128xf32, #tpu.memory_space<hbm>>
    %dma_wait3A_74 = arith.constant 0 : i32
    %dma_wait3A_75 = tpu.memref_slice %arg4[%multiple_of3A_71, %dma_wait3A_74] : memref<204800x128xf32, #tpu.memory_space<hbm>> -> memref<64x128xf32, #tpu.memory_space<hbm>>
    tpu.wait_dma2 semaphore(%arg35 : memref<!tpu.dma_semaphore, #tpu.memory_space<semaphore_mem>>) src(%arg15 : memref<64x128xf32, #tpu.memory_space<vmem>>) dst(%dma_wait3A_75 : memref<64x128xf32, #tpu.memory_space<hbm>>)
    return
  }
}

module attributes {stable_mosaic.version = 14 : i64} {
  func.func @_pack_body(%arg0: i32, %arg1: memref<32x24576xf32, #tpu.memory_space<vmem>>, %arg2: memref<64x24576xf32, #tpu.memory_space<vmem>>, %arg3: memref<32x24576xf32, #tpu.memory_space<vmem>>, %arg4: memref<256x256xf32, #tpu.memory_space<vmem>>, %arg5: memref<256x1xf32, #tpu.memory_space<vmem>>, %arg6: memref<24576x128xf32, #tpu.memory_space<vmem>>) attributes {dimension_semantics = [#tpu.dimension_semantics<arbitrary>], iteration_bounds = array<i64: 41>, scalar_prefetch = 0 : i64, scratch_operands = 0 : i64, tpu.core_type = #tpu.core_type<tc>, window_params = [{transform_indices = @transform_0, window_bounds = array<i64: 32, 24576>}, {transform_indices = @transform_1, window_bounds = array<i64: 64, 24576>}, {transform_indices = @transform_2, window_bounds = array<i64: 32, 24576>}, {pipeline_mode = #tpu.pipeline_mode<synchronous>, transform_indices = @transform_3, window_bounds = array<i64: 256, 256>}, {pipeline_mode = #tpu.pipeline_mode<synchronous>, transform_indices = @transform_4, window_bounds = array<i64: 256, 1>}, {transform_indices = @transform_5, window_bounds = array<i64: 24576, 128>}]} {
    %get3A = arith.constant 0 : index
    %get3A_0 = arith.constant 0 : index
    %get3A_1 = vector.load %arg1[%get3A, %get3A_0] : memref<32x24576xf32, #tpu.memory_space<vmem>>, vector<32x24576xf32>
    %slice3A = vector.extract_strided_slice %get3A_1 {offsets = [0, 0], sizes = [32, 3072], strides = [1, 1]} : vector<32x24576xf32> to vector<32x3072xf32>
    %slice3A_2 = vector.extract_strided_slice %get3A_1 {offsets = [0, 3072], sizes = [32, 3072], strides = [1, 1]} : vector<32x24576xf32> to vector<32x3072xf32>
    %slice3A_3 = vector.extract_strided_slice %get3A_1 {offsets = [0, 6144], sizes = [32, 3072], strides = [1, 1]} : vector<32x24576xf32> to vector<32x3072xf32>
    %slice3A_4 = vector.extract_strided_slice %get3A_1 {offsets = [0, 9216], sizes = [32, 3072], strides = [1, 1]} : vector<32x24576xf32> to vector<32x3072xf32>
    %slice3A_5 = vector.extract_strided_slice %get3A_1 {offsets = [0, 12288], sizes = [32, 3072], strides = [1, 1]} : vector<32x24576xf32> to vector<32x3072xf32>
    %slice3A_6 = vector.extract_strided_slice %get3A_1 {offsets = [0, 15360], sizes = [32, 3072], strides = [1, 1]} : vector<32x24576xf32> to vector<32x3072xf32>
    %slice3A_7 = vector.extract_strided_slice %get3A_1 {offsets = [0, 18432], sizes = [32, 3072], strides = [1, 1]} : vector<32x24576xf32> to vector<32x3072xf32>
    %slice3A_8 = vector.extract_strided_slice %get3A_1 {offsets = [0, 21504], sizes = [32, 3072], strides = [1, 1]} : vector<32x24576xf32> to vector<32x3072xf32>
    %concatenate3A = tpu.concatenate %slice3A, %slice3A_2, %slice3A_3, %slice3A_4, %slice3A_5, %slice3A_6, %slice3A_7, %slice3A_8 in 0 : vector<32x3072xf32>, vector<32x3072xf32>, vector<32x3072xf32>, vector<32x3072xf32>, vector<32x3072xf32>, vector<32x3072xf32>, vector<32x3072xf32>, vector<32x3072xf32> -> vector<256x3072xf32>
    %get3A_9 = arith.constant 0 : index
    %get3A_10 = arith.constant 0 : index
    %get3A_11 = vector.load %arg4[%get3A_9, %get3A_10] : memref<256x256xf32, #tpu.memory_space<vmem>>, vector<256x256xf32>
    %dot_general3A = arith.constant dense<0.000000e+00> : vector<256x3072xf32>
    %dot_general3A_12 = tpu.matmul %get3A_11, %concatenate3A, %dot_general3A {dimension_numbers = #tpu.dot_dimension_numbers<[1], [0], [0], [1], [0, 0, 1, 1], [], []>, transpose_lhs_hint = false} : vector<256x256xf32>, vector<256x3072xf32>, vector<256x3072xf32> -> vector<256x3072xf32>
    %get3A_13 = arith.constant 0 : index
    %get3A_14 = arith.constant 0 : index
    %get3A_15 = vector.load %arg5[%get3A_13, %get3A_14] : memref<256x1xf32, #tpu.memory_space<vmem>>, vector<256x1xf32>
    %add3A = vector.broadcast %get3A_15 : vector<256x1xf32> to vector<256x3072xf32>
    %add3A_16 = arith.addf %dot_general3A_12, %add3A : vector<256x3072xf32>
    %mul3A = arith.constant 2.000000e+00 : f32
    %mul3A_17 = vector.broadcast %mul3A : f32 to vector<256x3072xf32>
    %mul3A_18 = arith.mulf %add3A_16, %mul3A_17 : vector<256x3072xf32>
    %tanh3A = math.tanh %mul3A_18 : vector<256x3072xf32>
    %slice3A_19 = vector.extract_strided_slice %tanh3A {offsets = [0, 0], sizes = [32, 3072], strides = [1, 1]} : vector<256x3072xf32> to vector<32x3072xf32>
    %slice3A_20 = vector.extract_strided_slice %tanh3A {offsets = [32, 0], sizes = [32, 3072], strides = [1, 1]} : vector<256x3072xf32> to vector<32x3072xf32>
    %slice3A_21 = vector.extract_strided_slice %tanh3A {offsets = [64, 0], sizes = [32, 3072], strides = [1, 1]} : vector<256x3072xf32> to vector<32x3072xf32>
    %slice3A_22 = vector.extract_strided_slice %tanh3A {offsets = [96, 0], sizes = [32, 3072], strides = [1, 1]} : vector<256x3072xf32> to vector<32x3072xf32>
    %slice3A_23 = vector.extract_strided_slice %tanh3A {offsets = [128, 0], sizes = [32, 3072], strides = [1, 1]} : vector<256x3072xf32> to vector<32x3072xf32>
    %slice3A_24 = vector.extract_strided_slice %tanh3A {offsets = [160, 0], sizes = [32, 3072], strides = [1, 1]} : vector<256x3072xf32> to vector<32x3072xf32>
    %slice3A_25 = vector.extract_strided_slice %tanh3A {offsets = [192, 0], sizes = [32, 3072], strides = [1, 1]} : vector<256x3072xf32> to vector<32x3072xf32>
    %slice3A_26 = vector.extract_strided_slice %tanh3A {offsets = [224, 0], sizes = [32, 3072], strides = [1, 1]} : vector<256x3072xf32> to vector<32x3072xf32>
    %concatenate3A_27 = tpu.concatenate %slice3A_19, %slice3A_20, %slice3A_21, %slice3A_22, %slice3A_23, %slice3A_24, %slice3A_25, %slice3A_26 in 1 : vector<32x3072xf32>, vector<32x3072xf32>, vector<32x3072xf32>, vector<32x3072xf32>, vector<32x3072xf32>, vector<32x3072xf32>, vector<32x3072xf32>, vector<32x3072xf32> -> vector<32x24576xf32>
    %get3A_28 = arith.constant 0 : index
    %get3A_29 = arith.constant 0 : index
    %get3A_30 = vector.load %arg2[%get3A_28, %get3A_29] : memref<64x24576xf32, #tpu.memory_space<vmem>>, vector<64x24576xf32>
    %get3A_31 = arith.constant 0 : index
    %get3A_32 = arith.constant 0 : index
    %get3A_33 = vector.load %arg3[%get3A_31, %get3A_32] : memref<32x24576xf32, #tpu.memory_space<vmem>>, vector<32x24576xf32>
    %concatenate3A_34 = tpu.concatenate %concatenate3A_27, %get3A_30, %get3A_33 in 0 : vector<32x24576xf32>, vector<64x24576xf32>, vector<32x24576xf32> -> vector<128x24576xf32>
    %transpose3A = tpu.transpose %concatenate3A_34, [1, 0] : vector<128x24576xf32> -> vector<24576x128xf32>
    %swap3A = arith.constant 0 : index
    %swap3A_35 = arith.constant 0 : index
    %swap3A_36 = vector.load %arg6[%swap3A, %swap3A_35] : memref<24576x128xf32, #tpu.memory_space<vmem>>, vector<24576x128xf32>
    tpu.vector_store %arg6[%swap3A, %swap3A_35], %transpose3A {strides = array<i32>} : memref<24576x128xf32, #tpu.memory_space<vmem>>, vector<24576x128xf32>,
    return
  }
  func.func @transform_0(%arg0: i32) -> (i32, i32) {
    %c0_i32 = arith.constant 0 : i32
    %c0_i32_0 = arith.constant 0 : i32
    return %c0_i32, %arg0 : i32, i32
  }
  func.func @transform_1(%arg0: i32) -> (i32, i32) {
    %c0_i32 = arith.constant 0 : i32
    %c0_i32_0 = arith.constant 0 : i32
    return %c0_i32, %arg0 : i32, i32
  }
  func.func @transform_2(%arg0: i32) -> (i32, i32) {
    %c0_i32 = arith.constant 0 : i32
    %c0_i32_0 = arith.constant 0 : i32
    return %c0_i32, %arg0 : i32, i32
  }
  func.func @transform_3(%arg0: i32) -> (i32, i32) {
    %c0_i32 = arith.constant 0 : i32
    %c0_i32_0 = arith.constant 0 : i32
    %c0_i32_1 = arith.constant 0 : i32
    return %c0_i32, %c0_i32_0 : i32, i32
  }
  func.func @transform_4(%arg0: i32) -> (i32, i32) {
    %c0_i32 = arith.constant 0 : i32
    %c0_i32_0 = arith.constant 0 : i32
    %c0_i32_1 = arith.constant 0 : i32
    return %c0_i32, %c0_i32_0 : i32, i32
  }
  func.func @transform_5(%arg0: i32) -> (i32, i32) {
    %c0_i32 = arith.constant 0 : i32
    %c0_i32_0 = arith.constant 0 : i32
    return %arg0, %c0_i32 : i32, i32
  }
}

</mosaic_0001>

<sc_bundles>
// kernel: kernel.4.cloned.1.call-start
scs
__scs_entry_jumppad:
0x0: {  	(pc) =	sbr.rel $0x88, $3  }
0x1: {  	(tag) =	ssettag $0x0;
	lr =	simm.s32 $0x1  }
0x2: {  	[smem:$0x3F9B] =	sst lr;
	_ =	strace $0xD0000000  }
0x3: {  	_ = 	snop  }
0x4: {  	_ = 	snop  }
0x5: {  	_ = 	snop  }
0x6: {  	_ = 	snop  }
0x7: {  	_ = 	snop  }
__scs_overlays_trampoline_lowered:
0x8: {  	[smem:$0x3FAA] =	sst s0  }
0x9: {  	[smem:$0x3FAB] =	sst s1  }
0xa: {  	[smem:$0x3FAC] =	sst s2  }
0xb: {  	[smem:$0x3FAD] =	sst s3  }
0xc: {  	[smem:$0x3FAE] =	sst s4  }
0xd: {  	[smem:$0x3FAF] =	sst s5  }
0xe: {  	[smem:$0x3FB0] =	sst s6  }
0xf: {  	[smem:$0x3FB1] =	sst s7  }
0x10: {  	[smem:$0x3FB2] =	sst s8  }
0x11: {  	[smem:$0x3FB3] =	sst s9;
	s0 =	simm.s32 @!p0 $0x0  }
0x12: {  	s1 =	sld [smem:$0x3F99];
	s0 =	simm.s32 @p0 $0x1  }
0x13: {  	[smem:$0x3FB4] =	sst s0;
	s0 =	simm.s32 @!p1 $0x0  }
0x14: {  	s2 =	sld [smem:$0x3F98];
	s0 =	simm.s32 @p1 $0x1  }
0x15: {  	[smem:$0x3FB5] =	sst s0;
	s0 =	simm.s32 @!p2 $0x0  }
0x16: {  	s3 =	sld [smem:$0x3FDB];
	s0 =	simm.s32 @p2 $0x1  }
0x17: {  	s4 =	simm.s32 $0x1BF5;
	[smem:$0x3FB7] =	sst s0  }
0x18: {  	s0 =	sld [smem:$0x3F9A];
	_ =	swait.ge [sflag:s4], $0x0  }
0x19: {  	s7 =	sld [smem:$0x3F9B]  }
0x1a: {  	s8 =	sadd.s32 $0xFFFFE003, lr  }
0x1b: {  	s9 =	sadd.s32 $0xFFFFFEF7, lr;
	s5 =	simm.s32 $0xFFFFFFFF;
	p2 =	slt.u32 s8, $0xFFFFF086  }
0x1c: {  	p1 =	slt.u32 s9, $0xF7A;
	s5 =	simm.s32 @!p2 $0x0  }
0x1d: {  	s5 =	simm.s32 @p1 $0x1;
	p0 =	seq.s32 s7, s2  }
0x1e: {  	s7 =	smul.u32 @!p0 $0xF7A, s2;
	p2 =	seq.s32 @!p0 s5, $0x0  }
0x1f: {  	s9 =	smul.u32 $0xF7A, s1;
	s8 =	simm.s32 @!p0 $0x1BF5;
	p2 =	por !p2, p0  }
0x20: {  	[sflag:s8] =	ssyncset.s32 @!p0 $0xFFFFF086;
	s6 =	sadd.s32 @!p0 s3, s7;
	s7 =	simm.s32 @!p0 $0x108  }
0x21: {  	s3 =	sadd.s32 s3, s9;
	s6 =	sadd.s32 @!p0 $0x88, s6;
	s7 =	simm.s32 @p2 $0x1082  }
0x22: {  	[simem:s7], [sflag:s8] =	dma.local @!p0 [hbm:s6], $0xF7A  }
0x23: {  	s9 =	sor.u32 $0xD0000000, s2;
	s6 =	simm.s32 $0x108;
	_ =	swait.ge @!p0 [sflag:s8], $0x0  }
0x24: {  	s3 =	sadd.s32 $0x88, s3;
	s6 =	simm.s32 @!p1 $0x1082;
	[sflag:s4] =	ssyncset.s32 $0xFFFFF086  }
0x25: {  	[simem:s6], [sflag:s4] =	dma.local [hbm:s3], $0xF7A  }
0x26: {  	[smem:$0x3F9B] =	sst s1;
	(tag) =	ssettag s2;
	_ =	strace s9  }
0x27: {  	s1 =	sld [smem:$0x3FAB]  }
0x28: {  	s2 =	sld [smem:$0x3FAC]  }
0x29: {  	s4 =	sld [smem:$0x3FAE]  }
0x2a: {  	p0 =	seq.s32 s5, $0x0;
	s5 =	sld [smem:$0x3FAF]  }
0x2b: {  	s6 =	sld [smem:$0x3FB0]  }
0x2c: {  	s7 =	sld [smem:$0x3FB1]  }
0x2d: {  	s3 =	simm.s32 $0x108;
	s8 =	sld [smem:$0x3FB2]  }
0x2e: {  	s3 =	simm.s32 @!p0 $0x1082;
	s9 =	sld [smem:$0x3FB3]  }
0x2f: {  	lr =	sadd.s32 s0, s3;
	s0 =	sld [smem:$0x3FAA]  }
0x30: {  	s3 =	sld [smem:$0x3FAD]  }
0x31: {  	[smem:$0x3FB6] =	sst s10  }
0x32: {  	s10 =	sld [smem:$0x3FB4];
	_ =	sdelay $0x3  }
0x33: {  	p0 =	seq.s32 s10, $0x1;
	s10 =	sld [smem:$0x3FB6];
	_ =	sdelay $0x3  }
0x34: {  	[smem:$0x3FB6] =	sst s10  }
0x35: {  	s10 =	sld [smem:$0x3FB5];
	_ =	sdelay $0x3  }
0x36: {  	p1 =	seq.s32 s10, $0x1;
	s10 =	sld [smem:$0x3FB6];
	_ =	sdelay $0x3  }
0x37: {  	[smem:$0x3FB6] =	sst s10  }
0x38: {  	s10 =	sld [smem:$0x3FB7]  }
0x39: {  	_ = 	snop;
	(pc) =	sbr.ind lr, $3  }
0x3a: {  	_ = 	snop  }
0x3b: {  	_ = 	snop  }
0x3c: {  	p2 =	seq.s32 s10, $0x1;
	s10 =	sld [smem:$0x3FB6]  }
0x3d: {  	_ =	shalt  }
0x3e: {  	_ =	shalt  }
0x3f: {  	_ =	shalt  }
0x40: {  	_ =	shalt  }
0x41: {  	_ =	shalt  }
0x42: {  	_ =	shalt  }
0x43: {  	_ =	shalt  }
0x44: {  	_ =	shalt  }
0x45: {  	_ =	shalt  }
0x46: {  	_ =	shalt  }
0x47: {  	_ =	shalt  }
0x48: {  	_ =	shalt  }
0x49: {  	_ =	shalt  }
0x4a: {  	_ =	shalt  }
0x4b: {  	_ =	shalt  }
0x4c: {  	_ =	shalt  }
0x4d: {  	_ =	shalt  }
0x4e: {  	_ =	shalt  }
0x4f: {  	_ =	shalt  }
0x50: {  	_ =	shalt  }
0x51: {  	_ =	shalt  }
0x52: {  	_ =	shalt  }
0x53: {  	_ =	shalt  }
0x54: {  	_ =	shalt  }
0x55: {  	_ =	shalt  }
0x56: {  	_ =	shalt  }
0x57: {  	_ =	shalt  }
0x58: {  	_ =	shalt  }
0x59: {  	_ =	shalt  }
0x5a: {  	_ =	shalt  }
0x5b: {  	_ =	shalt  }
0x5c: {  	_ =	shalt  }
0x5d: {  	_ =	shalt  }
0x5e: {  	_ =	shalt  }
0x5f: {  	_ =	shalt  }
0x60: {  	_ =	shalt  }
0x61: {  	_ =	shalt  }
0x62: {  	_ =	shalt  }
0x63: {  	_ =	shalt  }
0x64: {  	_ =	shalt  }
0x65: {  	_ =	shalt  }
0x66: {  	_ =	shalt  }
0x67: {  	_ =	shalt  }
0x68: {  	_ =	shalt  }
0x69: {  	_ =	shalt  }
0x6a: {  	_ =	shalt  }
0x6b: {  	_ =	shalt  }
0x6c: {  	_ =	shalt  }
0x6d: {  	_ =	shalt  }
0x6e: {  	_ =	shalt  }
0x6f: {  	_ =	shalt  }
0x70: {  	_ =	shalt  }
0x71: {  	_ =	shalt  }
0x72: {  	_ =	shalt  }
0x73: {  	_ =	shalt  }
0x74: {  	_ =	shalt  }
0x75: {  	_ =	shalt  }
0x76: {  	_ =	shalt  }
0x77: {  	_ =	shalt  }
0x78: {  	_ =	shalt  }
0x79: {  	_ =	shalt  }
0x7a: {  	_ =	shalt  }
0x7b: {  	_ =	shalt  }
0x7c: {  	_ =	shalt  }
0x7d: {  	_ =	shalt  }
0x7e: {  	_ =	shalt  }
0x7f: {  	_ =	shalt  }
0x80: {  	_ =	shalt  }
0x81: {  	_ =	shalt  }
0x82: {  	_ =	shalt  }
0x83: {  	_ =	shalt  }
0x84: {  	_ =	shalt  }
0x85: {  	_ =	shalt  }
0x86: {  	_ =	shalt  }
0x87: {  	_ =	shalt  }
.Lfunc_end0:
.L_simem_size_0:
called_computation_lowered:
.L_overlay_start_0:
0x88: {  	s2 =	sld [smem:$0x3FD9]  }
0x89: {  	s3 =	sld [smem:$0x3FFE];
	_ =	sdelay $0x1  }
0x8a: {  	s1 =	srdreg.scid  }
0x8b: {  	s0 =	sand.u32 $0x1, s1  }
0x8c: {  	s17 =	sshll.u32 s0, $0xA;
	s2 =	sadd.s32 s3, s2  }
0x8d: {  	s2 =	sadd.s32 s2, s17  }
0x8e: {  	[smem:$0x3FC2] =	sst s2  }
0x8f: {  	_ = 	snop  }
0x90: {  	s2 =	sld [smem:$0x3FD0];
	(tm) =	ssettm $0x1  }
0x91: {  	s18 =	sld [smem:$0x3FFB];
	_ =	sdelay $0x3  }
0x92: {  	_ =	strace s18  }
0x93: {  	s3 =	sld [smem:$0x3FFC];
	_ =	sdelay $0x3  }
0x94: {  	_ =	strace s3  }
0x95: {  	s3 =	sld [smem:$0x3FFD];
	_ =	sdelay $0x3  }
0x96: {  	_ =	strace s3  }
0x97: {  	_ =	strace $0x8FFFFFFF  }
0x98: {  	s19 =	sld [smem:$0x3FDB];
	_ =	sdelay $0x1  }
0x99: {  	s4 =	simm.s32 $_scs_section_size  }
0x9a: {  	s5 =	simm.s32 $_size__tile_overlayer_lowered;
	s6 =	simm.s32 $_tile_overlayer_lowered  }
0x9b: {  	s22 =	simm.s32 $0x1BFF;
	s21 =	sshll.u32 s6, $0x1;
	s3 =	sadd.s32 s4, s19  }
0x9c: {  	s7 =	simm.s32 $0x0;
	s20 =	sshll.u32 s5, $0x1;
	s5 =	sadd.s32 s21, s3  }
0x9d: {  	[timem:s7], [sflag:s22] =	dma.local [hbm:s5], s20  }
0x9e: {  	_ =	swait.ge [sflag:s22], s20  }
0x9f: {  	s4 =	ssub.s32 $0x0, s20;
	[sflag:s22] =	ssyncset.done $0x0  }
0xa0: {  	[sflag:s22] =	ssyncadd.s32 s4;
	_ =	sdelay $0x1  }
0xa1: {  	s23 =	simm.s32 $0x1B8B  }
0xa2: {  	_ =	swait.ge [sflag:s23], $0x1  }
0xa3: {  	[sflag:s23] =	ssyncset.done $0x0  }
0xa4: {  	s25 =	simm.s32 $0x1B8E;
	s24 =	sld [smem:$0x3FFE];
	[sflag:s23] =	ssyncadd.s32 $0xFFFFFFFF  }
0xa5: {  	s26 =	simm.s32 $execute0_lowered;
	[smem:$0x3FD2] =	sst s25  }
0xa6: {  	s5 =	sshll.u32 s26, $0x1;
	_ =	strace $0x80000046;
	[dreg:$0x1] =	wrdreg $0xFFFFFFFF  }
0xa7: {  	s28 =	simm.s32 $_size_execute0_lowered;
	s3 =	sadd.s32 s3, s5;
	[dreg:$0x0] =	wrdreg $0x0  }
0xa8: {  	s5 =	sshll.u32 s28, $0x1;
	[dreg:$0x2] =	wrdreg s3  }
0xa9: {  	[dreg:$0x3] =	wrdreg s5  }
0xaa: {  	[dreg:$0x4] =	wrdreg $0xC0  }
0xab: {  	_ =	task [dreg:s7], $0x5FFFF  }
0xac: {  	[dreg:$0x1] =	wrdreg $0xFFFFFFFF  }
0xad: {  	[dreg:$0x0] =	wrdreg $0x60  }
0xae: {  	[dreg:$0x2] =	wrdreg s24  }
0xaf: {  	[dreg:$0x3] =	wrdreg s2  }
0xb0: {  	[dreg:$0x4] =	wrdreg $0x9  }
0xb1: {  	_ =	task.clear_ibuf [dreg:s7], $0x5FFFF;
	_ =	strace $0x90000046  }
0xb2: {  	s29 =	simm.s32 $0x9;
	_ =	strace $0x80000048  }
0xb3: {  	_ =	swait.ge [sflag:s29], $0x1  }
0xb4: {  	[sflag:s29] =	ssyncadd.s32 $0xFFFFFFFF  }
0xb5: {  	_ =	strace $0x90000048  }
0xb6: {  	_ =	sfence  }
0xb7: {  	s30 =	sld [smem:$0x0];
	_ =	sdelay $0x2  }
0xb8: {  	s31 =	sshll.u32 s1, $0xD;
	s1 =	sshrl.u32 s1, $0x2  }
0xb9: {  	s3 =	sand.u32 $0x4000, s31;
	s1 =	sadd.s32 s1, s30  }
0xba: {  	s0 =	sor.u32 s3, s0;
	s1 =	sshll.u32 s1, $0x11  }
0xbb: {  	s0 =	sor.u32 s1, s0  }
0xbc: {  	s0 =	sadd.s32 $0x8F2B, s0  }
0xbd: {  	[sflag:s0] =	ssyncadd.remote.s32 $0x1  }
0xbe: {  	_ =	sfence.sel $0xFFFF  }
0xbf: {  	[dreg:$0x0] =	wrdreg $0xFFFFFFFF;
	(pc) =	sbr.abs _section_cstart, $3  }
0xc0: {  	[dreg:$0x1] =	wrdreg $0xFFFFFFFF  }
0xc1: {  	_ =	task.clear_ibuf [dreg:s7], $0x2FFFF;
	_ =	strace $0x9FFFFFFF  }
0xc2: {  	(tm) =	ssettm $0x7FFFFFFF  }
0xc3: {  	_ =	shalt  }
tec
execute0_lowered:
.L_overlay_start_1:
0x0: {  	(tag) =	ssettag $0x1  }
0x1: {  	s0 =	srdreg.scid;
	s5 =	rddreg [dreg:$0x0]  }
0x2: {  	s1 =	stileid.u32;
	s2 =	rddreg [dreg:$0x1];
	s4 =	simm.s32 $0x0  }
0x3: {  	s9 =	simm.s32 $0x5900;
	s10 =	simm.s32 $0x7900;
	s11 =	simm.s32 $0x9900  }
0x4: {  	s12 =	simm.s32 $0xB900;
	s13 =	simm.s32 $0xD900;
	s14 =	simm.s32 $0xF900  }
0x5: {  	s17 =	simm.s32 $0x11900;
	s18 =	simm.s32 $0x40;
	s28 =	simm.s32 $0x8  }
0x6: {  	s29 =	simm.s32 $0x9;
	s0 =	sand.u32 $0x1, s0;
	s1 =	sshll.u32 s1, $0x1  }
0x7: {  	s30 =	simm.s32 $0xA;
	s8 =	simm.s32 $0x0;
	s1 =	sor.u32 s0, s1  }
0x8: {  	s25 =	simm.s32 $0x13900;
	s0 =	ssub.s32 $0x2, s0;
	s3 =	smul.u32 $0x1900, s1  }
.Ltmp0:
0x9: {  	s26 =	simm.s32 $0x1;
	s6 =	sshrl.u32 s0, $0x1;
	(pc) =	sbr.rel .LBB2_1-.Ltmp0, $4  }
0xa: {  	[smem:$0x7FF] =	sst s4;
	s0 =	ssub.s32 s0, s6;
	s1 =	sshrl.u32 s3, $0x3  }
0xb: {  	_ =	strace $0x80000047;
	s0 =	smax.u32 s0, $0x1;
	s1 =	sadd.s32 s1, s5  }
0xc: {  	s6 =	simm.s32 $0x3900;
	[dreg:$0x4] =	wrdreg s0;
	s1 =	sadd.s32 $0x1400, s1  }
0xd: {  	s5 =	sadd.s32 $0x7800, s5;
	[dreg:$0x3] =	wrdreg s1;
	s1 =	simm.s32 $0x1900  }
.LBB2_6:
0xe: {  	s0 =	simm.s32 $0xB  }
0xf: {  	_ =	swait.ge [sflag:s0], $0x2000  }
0x10: {  	[sflag:s0] =	ssyncset.done $0x0  }
0x11: {  	s15 =	simm.s32 $0xC;
	[sflag:s0] =	ssyncadd.s32 $0xFFFFE000  }
0x12: {  	_ =	swait.ge [sflag:s15], $0x2000  }
0x13: {  	[sflag:s15] =	ssyncset.done $0x0  }
0x14: {  	s16 =	simm.s32 $0xD;
	[sflag:s15] =	ssyncadd.s32 $0xFFFFE000  }
0x15: {  	_ =	swait.ge [sflag:s16], $0x2000  }
0x16: {  	[sflag:s16] =	ssyncset.done $0x0  }
0x17: {  	s19 =	simm.s32 $0xE;
	[sflag:s16] =	ssyncadd.s32 $0xFFFFE000  }
0x18: {  	_ =	swait.ge [sflag:s19], $0x2000  }
0x19: {  	[sflag:s19] =	ssyncset.done $0x0  }
0x1a: {  	s20 =	simm.s32 $0xF;
	[sflag:s19] =	ssyncadd.s32 $0xFFFFE000  }
0x1b: {  	_ =	swait.ge [sflag:s20], $0x2000  }
0x1c: {  	[sflag:s20] =	ssyncset.done $0x0  }
0x1d: {  	s21 =	simm.s32 $0x10;
	[sflag:s20] =	ssyncadd.s32 $0xFFFFE000  }
0x1e: {  	_ =	swait.ge [sflag:s21], $0x2000  }
0x1f: {  	[sflag:s21] =	ssyncset.done $0x0  }
0x20: {  	s22 =	simm.s32 $0x11;
	[sflag:s21] =	ssyncadd.s32 $0xFFFFE000  }
0x21: {  	_ =	swait.ge [sflag:s22], $0x2000  }
0x22: {  	[sflag:s22] =	ssyncset.done $0x0  }
0x23: {  	s23 =	simm.s32 $0x12;
	[sflag:s22] =	ssyncadd.s32 $0xFFFFE000  }
0x24: {  	_ =	swait.ge [sflag:s23], $0x2000  }
0x25: {  	[sflag:s23] =	ssyncset.done $0x0  }
0x26: {  	s24 =	simm.s32 $0x13;
	[sflag:s23] =	ssyncadd.s32 $0xFFFFE000  }
0x27: {  	_ =	swait.ge [sflag:s24], $0x2000  }
0x28: {  	[sflag:s24] =	ssyncset.done $0x0  }
0x29: {  	s7 =	simm.s32 $0x14;
	[sflag:s24] =	ssyncadd.s32 $0xFFFFE000  }
0x2a: {  	_ =	swait.ge [sflag:s7], $0x2000  }
0x2b: {  	s8 =	rddreg [dreg:$0x5]  }
0x2c: {  	s31 =	rddreg [dreg:$0x4];
	s8 =	sadd.s32 $0x1, s8  }
0x2d: {  	p0 =	sne.s32 s8, s31  }
.Ltmp1:
0x2e: {  	_ = 	snop;
	(pc) =	sbr.rel @!p0 .LBB2_7-.Ltmp1, $3  }
0x2f: {  	_ =	sdelay $0x1  }
0x30: {  	[sflag:s7] =	ssyncset.done $0x0  }
0x31: {  	[sflag:s7] =	ssyncadd.s32 $0xFFFFE000  }
.LBB2_1:
0x32: {  	[dreg:$0x5] =	wrdreg s8  }
.Ltmp2:
0x33: {  	s0 =	rddreg [dreg:$0x3];
	s31 =	simm.s32 $0x15;
	(pc) =	sbr.rel .LBB2_2-.Ltmp2, $4  }
0x34: {  	[tilespmem:s4], [sflag:$0x15] =	stream.linear.gather [hbm4b:s0+s4], $0x1900, $0x38;
	[tilespmem:$0x15900] =	vst v63  }
0x35: {  	_ =	swait.ge [sflag:s31], $0x1900  }
0x36: {  	[sflag:s31] =	ssyncset.done $0x0  }
0x37: {  	s7 =	simm.s32 $0x200;
	s8 =	simm.s32 $0x200;
	[sflag:s31] =	ssyncadd.s32 $0xFFFFE700  }
.LBB2_4:
0x38: {  	s0 =	simm.s32 $0xB  }
0x39: {  	_ =	swait.ge [sflag:s0], $0x2000  }
0x3a: {  	[sflag:s0] =	ssyncset.done $0x0  }
0x3b: {  	s22 =	sadd.s32 $0xFFFFFE00, s8;
	s23 =	simm.s32 $0xC;
	[sflag:s0] =	ssyncadd.s32 $0xFFFFE000  }
0x3c: {  	[tilespmem:s1], [sflag:$0x1] =	stream.indirect.gather [hbm4b:s5+s18], $0x80, s22, s18, $0xb8;
	[tilespmem:$0x15900] =	vst v63  }
0x3d: {  	_ =	swait.ge [sflag:s23], $0x2000  }
0x3e: {  	[sflag:s23] =	ssyncset.done $0x0  }
0x3f: {  	s24 =	sadd.s32 $0xFFFFFE40, s8;
	s31 =	simm.s32 $0xD;
	[sflag:s23] =	ssyncadd.s32 $0xFFFFE000  }
0x40: {  	[tilespmem:s6], [sflag:$0x2] =	stream.indirect.gather [hbm4b:s5+s18], $0x80, s24, s18, $0xb8;
	[tilespmem:$0x15900] =	vst v63  }
0x41: {  	_ =	swait.ge [sflag:s31], $0x2000  }
0x42: {  	[sflag:s31] =	ssyncset.done $0x0  }
0x43: {  	s1 =	sadd.s32 $0xFFFFFE80, s8;
	s6 =	simm.s32 $0xE;
	[sflag:s31] =	ssyncadd.s32 $0xFFFFE000  }
0x44: {  	[tilespmem:s9], [sflag:$0x3] =	stream.indirect.gather [hbm4b:s5+s18], $0x80, s1, s18, $0xb8;
	[tilespmem:$0x15900] =	vst v63  }
0x45: {  	_ =	swait.ge [sflag:s6], $0x2000  }
0x46: {  	[sflag:s6] =	ssyncset.done $0x0  }
0x47: {  	s9 =	sadd.s32 $0xFFFFFEC0, s8;
	[sflag:s6] =	ssyncadd.s32 $0xFFFFE000  }
0x48: {  	[tilespmem:s10], [sflag:$0x4] =	stream.indirect.gather [hbm4b:s5+s18], $0x80, s9, s18, $0xb8;
	[tilespmem:$0x15900] =	vst v63  }
0x49: {  	s10 =	simm.s32 $0xF  }
0x4a: {  	_ =	swait.ge [sflag:s10], $0x2000  }
0x4b: {  	[sflag:s10] =	ssyncset.done $0x0  }
0x4c: {  	s15 =	sadd.s32 $0xFFFFFF00, s8;
	s16 =	simm.s32 $0x10;
	[sflag:s10] =	ssyncadd.s32 $0xFFFFE000  }
0x4d: {  	[tilespmem:s11], [sflag:$0x5] =	stream.indirect.gather [hbm4b:s5+s18], $0x80, s15, s18, $0xb8;
	[tilespmem:$0x15900] =	vst v63  }
0x4e: {  	_ =	swait.ge [sflag:s16], $0x2000  }
0x4f: {  	[sflag:s16] =	ssyncset.done $0x0  }
0x50: {  	s19 =	sadd.s32 $0xFFFFFF40, s8;
	s20 =	simm.s32 $0x11;
	[sflag:s16] =	ssyncadd.s32 $0xFFFFE000  }
0x51: {  	[tilespmem:s12], [sflag:$0x6] =	stream.indirect.gather [hbm4b:s5+s18], $0x80, s19, s18, $0xb8;
	[tilespmem:$0x15900] =	vst v63  }
0x52: {  	s21 =	sadd.s32 $0xFFFFFF80, s8;
	_ =	swait.ge [sflag:s20], $0x2000  }
0x53: {  	s0 =	sadd.s32 $0xFFFFFFC0, s7;
	s22 =	simm.s32 $0x12;
	[sflag:s20] =	ssyncset.done $0x0  }
0x54: {  	s23 =	sadd.s32 $0xFFFFFFC0, s8;
	s24 =	simm.s32 $0x13;
	[sflag:s20] =	ssyncadd.s32 $0xFFFFE000  }
0x55: {  	[tilespmem:s13], [sflag:$0x7] =	stream.indirect.gather [hbm4b:s5+s18], $0x80, s21, s18, $0xb8;
	[tilespmem:$0x15900] =	vst v63  }
0x56: {  	s31 =	simm.s32 $0x14;
	s1 =	smov.u32 s7;
	_ =	swait.ge [sflag:s22], $0x2000  }
0x57: {  	s6 =	sadd.s32 $0xFFFFFF80, s7;
	s9 =	sadd.s32 $0xFFFFFF40, s7;
	[sflag:s22] =	ssyncset.done $0x0  }
0x58: {  	s10 =	sadd.s32 $0xFFFFFF00, s7;
	s15 =	simm.s32 $0x1900;
	[sflag:s22] =	ssyncadd.s32 $0xFFFFE000  }
0x59: {  	[tilespmem:s14], [sflag:$0x8] =	stream.indirect.gather [hbm4b:s5+s18], $0x80, s23, s18, $0xb8;
	[tilespmem:$0x15900] =	vst v63  }
0x5a: {  	s11 =	sadd.s32 $0xFFFFFEC0, s7;
	s16 =	simm.s32 $0x3900;
	_ =	swait.ge [sflag:s24], $0x2000  }
0x5b: {  	s12 =	sadd.s32 $0xFFFFFE80, s7;
	s19 =	simm.s32 $0x7900;
	[sflag:s24] =	ssyncset.done $0x0  }
0x5c: {  	s20 =	simm.s32 $0x9900;
	s13 =	sadd.s32 $0xFFFFFE40, s7;
	[sflag:s24] =	ssyncadd.s32 $0xFFFFE000  }
0x5d: {  	[tilespmem:s17], [sflag:$0x9] =	stream.indirect.gather [hbm4b:s5+s18], $0x80, s8, s18, $0xb8;
	[tilespmem:$0x15900] =	vst v63  }
0x5e: {  	s21 =	simm.s32 $0xB900;
	s22 =	simm.s32 $0xD900;
	_ =	swait.ge [sflag:s31], $0x2000  }
0x5f: {  	s23 =	simm.s32 $0xF900;
	s14 =	sadd.s32 $0xFFFFFE00, s7;
	[sflag:s31] =	ssyncset.done $0x0  }
0x60: {  	s24 =	simm.s32 $0x11900;
	s17 =	simm.s32 $0x5900;
	[sflag:s31] =	ssyncadd.s32 $0xFFFFE000  }
.LBB2_5:
0x61: {  	s31 =	sadd.s32 $0x240, s14  }
0x62: {  	[tilespmem:s25], [sflag:$0xA] =	stream.indirect.gather [hbm4b:s5+s18], $0x80, s31, s18, $0xb8;
	[tilespmem:$0x15900] =	vst v63  }
0x63: {  	s14 =	sadd.s32 s3, s14;
	_ =	swait.ge [sflag:s26], $0x2000  }
0x64: {  	s14 =	sshll.u32 s14, $0x4;
	[sflag:s26] =	ssyncset.done $0x0  }
0x65: {  	s14 =	sadd.s32 s2, s14;
	[sflag:s26] =	ssyncadd.s32 $0xFFFFE000  }
0x66: {  	[hbm4b:s14+s4] =	stream.linear.scatter [tilespmem:s15], [sflag:$0xB], $0x2000, $0x38;
	[tilespmem:$0x15900] =	vst v63  }
0x67: {  	s15 =	simm.s32 $0x2  }
0x68: {  	s13 =	sadd.s32 s3, s13;
	_ =	swait.ge [sflag:s15], $0x2000  }
0x69: {  	s13 =	sshll.u32 s13, $0x4;
	[sflag:s15] =	ssyncset.done $0x0  }
0x6a: {  	s13 =	sadd.s32 s2, s13;
	[sflag:s15] =	ssyncadd.s32 $0xFFFFE000  }
0x6b: {  	[hbm4b:s13+s4] =	stream.linear.scatter [tilespmem:s16], [sflag:$0xC], $0x2000, $0x38;
	[tilespmem:$0x15900] =	vst v63  }
0x6c: {  	s16 =	simm.s32 $0x3  }
0x6d: {  	s12 =	sadd.s32 s3, s12;
	_ =	swait.ge [sflag:s16], $0x2000  }
0x6e: {  	s12 =	sshll.u32 s12, $0x4;
	[sflag:s16] =	ssyncset.done $0x0  }
0x6f: {  	s12 =	sadd.s32 s2, s12;
	[sflag:s16] =	ssyncadd.s32 $0xFFFFE000  }
0x70: {  	[hbm4b:s12+s4] =	stream.linear.scatter [tilespmem:s17], [sflag:$0xD], $0x2000, $0x38;
	[tilespmem:$0x15900] =	vst v63  }
0x71: {  	s17 =	simm.s32 $0x4  }
0x72: {  	s11 =	sadd.s32 s3, s11;
	_ =	swait.ge [sflag:s17], $0x2000  }
0x73: {  	s11 =	sshll.u32 s11, $0x4;
	[sflag:s17] =	ssyncset.done $0x0  }
0x74: {  	s11 =	sadd.s32 s2, s11;
	[sflag:s17] =	ssyncadd.s32 $0xFFFFE000  }
0x75: {  	[hbm4b:s11+s4] =	stream.linear.scatter [tilespmem:s19], [sflag:$0xE], $0x2000, $0x38;
	[tilespmem:$0x15900] =	vst v63  }
0x76: {  	s19 =	simm.s32 $0x5  }
0x77: {  	s10 =	sadd.s32 s3, s10;
	_ =	swait.ge [sflag:s19], $0x2000  }
0x78: {  	s10 =	sshll.u32 s10, $0x4;
	[sflag:s19] =	ssyncset.done $0x0  }
0x79: {  	s10 =	sadd.s32 s2, s10;
	[sflag:s19] =	ssyncadd.s32 $0xFFFFE000  }
0x7a: {  	[hbm4b:s10+s4] =	stream.linear.scatter [tilespmem:s20], [sflag:$0xF], $0x2000, $0x38;
	[tilespmem:$0x15900] =	vst v63  }
0x7b: {  	s20 =	simm.s32 $0x6  }
0x7c: {  	s9 =	sadd.s32 s3, s9;
	_ =	swait.ge [sflag:s20], $0x2000  }
0x7d: {  	s9 =	sshll.u32 s9, $0x4;
	[sflag:s20] =	ssyncset.done $0x0  }
0x7e: {  	s9 =	sadd.s32 s2, s9;
	[sflag:s20] =	ssyncadd.s32 $0xFFFFE000  }
0x7f: {  	[hbm4b:s9+s4] =	stream.linear.scatter [tilespmem:s21], [sflag:$0x10], $0x2000, $0x38;
	[tilespmem:$0x15900] =	vst v63  }
0x80: {  	s21 =	simm.s32 $0x7  }
0x81: {  	s6 =	sadd.s32 s3, s6;
	_ =	swait.ge [sflag:s21], $0x2000  }
0x82: {  	s6 =	sshll.u32 s6, $0x4;
	[sflag:s21] =	ssyncset.done $0x0  }
0x83: {  	s0 =	sadd.s32 s3, s0;
	s6 =	sadd.s32 s2, s6;
	[sflag:s21] =	ssyncadd.s32 $0xFFFFE000  }
0x84: {  	[hbm4b:s6+s4] =	stream.linear.scatter [tilespmem:s22], [sflag:$0x11], $0x2000, $0x38;
	[tilespmem:$0x15900] =	vst v63  }
0x85: {  	s7 =	sadd.s32 $0x280, s7;
	s8 =	sadd.s32 $0x280, s8;
	_ =	swait.ge [sflag:s28], $0x2000  }
0x86: {  	s0 =	sshll.u32 s0, $0x4;
	s31 =	sadd.s32 s3, s31;
	[sflag:s28] =	ssyncset.done $0x0  }
0x87: {  	p0 =	sne.s32 s7, $0x1B00;
	s0 =	sadd.s32 s2, s0;
	[sflag:s28] =	ssyncadd.s32 $0xFFFFE000  }
0x88: {  	[hbm4b:s0+s4] =	stream.linear.scatter [tilespmem:s23], [sflag:$0x12], $0x2000, $0x38;
	[tilespmem:$0x15900] =	vst v63  }
0x89: {  	s14 =	simm.s32 $0xF900;
	s23 =	sadd.s32 s3, s1;
	_ =	swait.ge [sflag:s29], $0x2000  }
0x8a: {  	s13 =	simm.s32 $0xD900;
	s0 =	sshll.u32 s23, $0x4;
	[sflag:s29] =	ssyncset.done $0x0  }
0x8b: {  	s12 =	simm.s32 $0xB900;
	s0 =	sadd.s32 s2, s0;
	[sflag:s29] =	ssyncadd.s32 $0xFFFFE000  }
0x8c: {  	[hbm4b:s0+s4] =	stream.linear.scatter [tilespmem:s24], [sflag:$0x13], $0x2000, $0x38;
	[tilespmem:$0x15900] =	vst v63  }
.Ltmp3:
0x8d: {  	s17 =	simm.s32 $0x11900;
	s11 =	simm.s32 $0x9900;
	(pc) =	sbr.rel @!p0 .LBB2_6-.Ltmp3, $4  }
0x8e: {  	s10 =	simm.s32 $0x7900;
	s9 =	simm.s32 $0x5900;
	_ =	swait.ge [sflag:s30], $0x2000  }
0x8f: {  	s6 =	simm.s32 $0x3900;
	s0 =	sshll.u32 s31, $0x4;
	[sflag:s30] =	ssyncset.done $0x0  }
0x90: {  	s1 =	simm.s32 $0x1900;
	s0 =	sadd.s32 s2, s0;
	[sflag:s30] =	ssyncadd.s32 $0xFFFFE000  }
0x91: {  	[hbm4b:s0+s4] =	stream.linear.scatter [tilespmem:s25], [sflag:$0x14], $0x2000, $0x38;
	[tilespmem:$0x15900] =	vst v63  }
.LBB2_2:
0x92: {  	p0 =	sne.s32 s7, $0x200  }
.Ltmp4:
0x93: {  	_ = 	snop;
	(pc) =	sbr.rel @p0 .LBB2_4-.Ltmp4, $1  }
0x94: {  	_ =	sdelay $0x3  }
0x95: {  	s13 =	simm.s32 $0x40;
	s15 =	simm.s32 $0x1900;
	s14 =	simm.s32 $0x0  }
0x96: {  	[tilespmem:s15], [sflag:$0x1] =	stream.indirect.gather [hbm4b:s5+s13], $0x80, s14, s13, $0xb8;
	[tilespmem:$0x15900] =	vst v63  }
0x97: {  	s16 =	simm.s32 $0x3900  }
0x98: {  	[tilespmem:s16], [sflag:$0x2] =	stream.indirect.gather [hbm4b:s5+s13], $0x80, s13, s13, $0xb8;
	[tilespmem:$0x15900] =	vst v63  }
0x99: {  	s17 =	simm.s32 $0x5900;
	s12 =	simm.s32 $0x80  }
0x9a: {  	[tilespmem:s17], [sflag:$0x3] =	stream.indirect.gather [hbm4b:s5+s13], $0x80, s12, s13, $0xb8;
	[tilespmem:$0x15900] =	vst v63  }
0x9b: {  	s19 =	simm.s32 $0x7900;
	s11 =	simm.s32 $0xC0  }
0x9c: {  	[tilespmem:s19], [sflag:$0x4] =	stream.indirect.gather [hbm4b:s5+s13], $0x80, s11, s13, $0xb8;
	[tilespmem:$0x15900] =	vst v63  }
0x9d: {  	s20 =	simm.s32 $0x9900;
	s10 =	simm.s32 $0x100  }
0x9e: {  	[tilespmem:s20], [sflag:$0x5] =	stream.indirect.gather [hbm4b:s5+s13], $0x80, s10, s13, $0xb8;
	[tilespmem:$0x15900] =	vst v63  }
0x9f: {  	s21 =	simm.s32 $0xB900;
	s9 =	simm.s32 $0x140  }
0xa0: {  	[tilespmem:s21], [sflag:$0x6] =	stream.indirect.gather [hbm4b:s5+s13], $0x80, s9, s13, $0xb8;
	[tilespmem:$0x15900] =	vst v63  }
0xa1: {  	s22 =	simm.s32 $0xD900;
	s6 =	simm.s32 $0x180  }
0xa2: {  	[tilespmem:s22], [sflag:$0x7] =	stream.indirect.gather [hbm4b:s5+s13], $0x80, s6, s13, $0xb8;
	[tilespmem:$0x15900] =	vst v63  }
.Ltmp5:
0xa3: {  	_ = 	snop;
	(pc) =	sbr.rel .LBB2_5-.Ltmp5, $4  }
0xa4: {  	s23 =	simm.s32 $0xF900;
	s0 =	simm.s32 $0x1C0  }
0xa5: {  	[tilespmem:s23], [sflag:$0x8] =	stream.indirect.gather [hbm4b:s5+s13], $0x80, s0, s13, $0xb8;
	[tilespmem:$0x15900] =	vst v63  }
0xa6: {  	s24 =	simm.s32 $0x11900;
	s1 =	simm.s32 $0x200  }
0xa7: {  	[tilespmem:s24], [sflag:$0x9] =	stream.indirect.gather [hbm4b:s5+s13], $0x80, s1, s13, $0xb8;
	[tilespmem:$0x15900] =	vst v63  }
.LBB2_7:
0xa8: {  	_ =	sfence.sel $0x180000  }
0xa9: {  	[bflag:$0x0] =	sbarrier.arrive $0xFFFF  }
0xaa: {  	_ =	strace $0x90000047  }
0xab: {  	s0 =	stileid.u32;
	[bflag:$0x2] =	sbarrier.arrive $0xFFFF  }
0xac: {  	p0 =	sne.s32 s0, $0x0;
	s0 =	rddreg [dreg:$0x2]  }
0xad: {  	s0 =	sadd.s32 @!p0 $0x100000, s0  }
0xae: {  	[sflag:s0] =	ssyncadd.tile.s32 @!p0 $0x1;
	_ =	shalt  }
.Lfunc_end2:
_tile_overlayer_lowered:
.L_overlay_start_2:
0xaf: {  	(tag) =	ssettag $0x2  }
0xb0: {  	s0 =	rddreg [dreg:$0x0];
	s2 =	stileid.u32  }
0xb1: {  	s1 =	rddreg [dreg:$0x1];
	p0 =	sne.s32 s2, $0x0  }
0xb2: {  	s3 =	rddreg [dreg:$0x2];
	[bflag:$0x3] =	sbarrier.arrive $0xFFFF;
	s2 =	simm.s32 @!p0 $0x1C15  }
0xb3: {  	[timem:s3], [sflag:s2] =	dma.local @!p0 [hbm:s0], s1  }
0xb4: {  	s0 =	simm.s32 @!p0 $0x15  }
0xb5: {  	_ =	swait.ge @!p0 [sflag:s0], s1  }
0xb6: {  	s1 =	ssub.s32 @!p0 $0x0, s1;
	[sflag:s0] =	ssyncset.done @!p0 $0x0  }
0xb7: {  	[sflag:s0] =	ssyncadd.s32 @!p0 s1  }
0xb8: {  	[bflag:$0x3] =	sbarrier.arrive $0xFFFF  }
0xb9: {  	_ =	shalt  }

</sc_bundles>
